<compile_context>
chip_gen: v7x
topology: tpu7x:2x2x1
jax: 0.10.2.dev20260603
libtpu: 0.0.44.dev20260713+nightly
codegen_flags: <defaults>
</compile_context>

<pallas_src>
import functools

import jax
import jax.numpy as jnp
from jax import lax
from jax.experimental import pallas as pl
from jax.experimental.pallas import tpu as pltpu
from jax.experimental.pallas import tpu_sc as plsc

T = 2048
D = 768
F = 2048
E = 8
TOP_K = 2

RT = 512
BT = 256
EPAD = 128
P = T * TOP_K + E * BT
NT = P // BT

NW = 32
DISP_CH = 48
COMB_CH = 32



def _router_body(x_ref, wgt_ref, sel_ref, topw_ref, rank_ref, cnt_ref, aux_ref,
                 acc_ref, base_ref):
    i = pl.program_id(0)
    nsteps = pl.num_programs(0)
    logits = jnp.dot(x_ref[...], wgt_ref[...], preferred_element_type=jnp.float32)
    lane = jax.lax.broadcasted_iota(jnp.int32, logits.shape, 1)
    lm = jnp.where(lane < E, logits, -jnp.inf)
    m = jnp.max(lm, axis=1, keepdims=True)
    p = jnp.exp(lm - m)
    s = jnp.sum(p, axis=1, keepdims=True)
    z = jnp.log(s) + m

    @pl.when(i == 0)
    def _():
        acc_ref[0, 0] = 0.0
        base_ref[...] = jnp.zeros_like(base_ref)

    acc_ref[0, 0] += jnp.sum(z * z)

    probs = p / s
    big = jnp.int32(999)
    p1 = jnp.max(probs, axis=1, keepdims=True)
    a1 = jnp.min(jnp.where(probs == p1, lane, big), axis=1, keepdims=True)
    probs2 = jnp.where(lane == a1, -1.0, probs)
    p2 = jnp.max(probs2, axis=1, keepdims=True)
    a2 = jnp.min(jnp.where(probs2 == p2, lane, big), axis=1, keepdims=True)
    wsum = p1 + p2
    w1 = p1 / wsum
    w2 = p2 / wsum
    sel = jnp.where(lane == 0, a1, jnp.where(lane == 1, a2, 0))
    sel_ref[...] = sel[:, :TOP_K]
    topw = jnp.where(lane == 0, w1, jnp.where(lane == 1, w2, 0.0))
    topw_ref[...] = topw[:, :TOP_K]

    cnt = jnp.where(lane == a1, 1.0, 0.0) + jnp.where(lane == a2, 1.0, 0.0)
    r0 = jax.lax.broadcasted_iota(jnp.int32, (RT, RT), 0)
    c0 = jax.lax.broadcasted_iota(jnp.int32, (RT, RT), 1)
    ltri = jnp.where(r0 > c0, 1.0, 0.0)
    tokcum = jnp.dot(ltri, cnt, preferred_element_type=jnp.float32)
    tot = tokcum + base_ref[...]
    rank0 = jnp.sum(jnp.where(lane == a1, tot, 0.0), axis=1, keepdims=True)
    rank1 = jnp.sum(jnp.where(lane == a2, tot, 0.0), axis=1, keepdims=True)
    rank = jnp.where(lane == 0, rank0, jnp.where(lane == 1, rank1, 0.0))
    rank_ref[...] = rank[:, :TOP_K].astype(jnp.int32)
    base_ref[...] += jnp.sum(cnt, axis=0, keepdims=True)

    @pl.when(i == nsteps - 1)
    def _():
        aux_ref[0, 0] = acc_ref[0, 0] * (0.001 / T)
        cnt_ref[...] = base_ref[...]


def _router(x, w_gate):
    wgt = jnp.zeros((D, EPAD), jnp.float32).at[:, :E].set(w_gate.T)
    return pl.pallas_call(
        _router_body,
        grid=(T // RT,),
        in_specs=[
            pl.BlockSpec((RT, D), lambda i: (i, 0)),
            pl.BlockSpec((D, EPAD), lambda i: (0, 0)),
        ],
        out_specs=[
            pl.BlockSpec((RT, TOP_K), lambda i: (i, 0)),
            pl.BlockSpec((RT, TOP_K), lambda i: (i, 0)),
            pl.BlockSpec((RT, TOP_K), lambda i: (i, 0)),
            pl.BlockSpec((1, EPAD), lambda i: (0, 0)),
            pl.BlockSpec((1, 1), lambda i: (0, 0), memory_space=pltpu.SMEM),
        ],
        out_shape=[
            jax.ShapeDtypeStruct((T, TOP_K), jnp.int32),
            jax.ShapeDtypeStruct((T, TOP_K), jnp.float32),
            jax.ShapeDtypeStruct((T, TOP_K), jnp.int32),
            jax.ShapeDtypeStruct((1, EPAD), jnp.float32),
            jax.ShapeDtypeStruct((1, 1), jnp.float32),
        ],
        scratch_shapes=[pltpu.SMEM((1, 1), jnp.float32),
                        pltpu.VMEM((1, EPAD), jnp.float32)],
    )(x, wgt)



def _routing_plan(sel, rank, cnt):
    ep = sel.reshape(-1)
    counts = cnt[0, :E].astype(jnp.int32)
    padded = ((counts + BT - 1) // BT) * BT
    offs = jnp.concatenate([jnp.zeros((1,), jnp.int32),
                            jnp.cumsum(padded).astype(jnp.int32)])
    oh = (ep[:, None] == jnp.arange(E)[None, :]).astype(jnp.int32)
    pos = jnp.sum(oh * offs[None, :E], axis=1) + rank.reshape(-1)
    pos_t = pos.reshape(T, TOP_K).T.reshape(-1)
    tile_start = jnp.arange(NT, dtype=jnp.int32) * BT
    tile_expert = jnp.clip(
        jnp.sum((tile_start[:, None] >= offs[1:][None, :]).astype(jnp.int32), axis=1),
        0, E - 1)
    n_active = offs[E] // BT
    active = tile_start < offs[E]
    prev = jnp.concatenate([jnp.full((1,), -1, jnp.int32), tile_expert[:-1]])
    bnd = ((tile_expert != prev) & active).astype(jnp.int32)
    par = jnp.remainder(jnp.cumsum(bnd) - 1, 2).astype(jnp.int32)
    idxe = jnp.arange(E, dtype=jnp.int32)
    present = padded > 0
    cand = jnp.where(present[None, :] & (idxe[None, :] > idxe[:, None]),
                     idxe[None, :], 999)
    nxt_e = jnp.min(cand, axis=1)
    oh_t = tile_expert[:, None] == idxe[None, :]
    nxt = jnp.sum(jnp.where(oh_t, nxt_e[None, :], 0), axis=1)
    nxt = jnp.where(nxt == 999, -1, nxt)
    meta = jnp.concatenate([tile_expert, bnd, nxt, par,
                            n_active[None]]).astype(jnp.int32)
    return pos_t.astype(jnp.int32), meta



DISP_PW = 2 * T // NW


def _dispatch(x, pos_t):
    per_w = DISP_PW
    mesh = plsc.VectorSubcoreMesh(core_axis_name="c", subcore_axis_name="s")

    @functools.partial(
        pl.kernel,
        mesh=mesh,
        out_type=jax.ShapeDtypeStruct((P, D), jnp.float32),
        scratch_types=[
            pltpu.VMEM((per_w,), jnp.int32),
            pltpu.VMEM((per_w, D), jnp.float32),
            pltpu.SemaphoreType.DMA,
        ],
    )
    def disp(x_hbm, pos_hbm, xs_hbm, idx_v, rows_v, sem):
        wid = lax.axis_index("s") * 2 + lax.axis_index("c")
        pltpu.sync_copy(pos_hbm.at[pl.ds(wid * per_w, per_w)], idx_v)
        tbase = lax.rem(wid, 16) * per_w
        pltpu.sync_copy(x_hbm.at[pl.ds(tbase, per_w)], rows_v)
        pltpu.async_copy(rows_v, xs_hbm.at[idx_v], sem).wait()

    return disp(x, pos_t)



def _gmm_body(meta_ref, xs_ref, wg_hbm, wu_hbm, wd_hbm, ys_ref,
              wgb, wub, wdb, sems):
    i = pl.program_id(0)
    eid = meta_ref[i]
    bnd = meta_ref[NT + i]
    nxt = meta_ref[2 * NT + i]
    par = meta_ref[3 * NT + i]
    n_active = meta_ref[4 * NT]

    def w_copies(e, k):
        return (pltpu.make_async_copy(wg_hbm.at[e], wgb.at[k], sems.at[k, 0]),
                pltpu.make_async_copy(wu_hbm.at[e], wub.at[k], sems.at[k, 1]),
                pltpu.make_async_copy(wd_hbm.at[e], wdb.at[k], sems.at[k, 2]))

    @pl.when(i == 0)
    def _():
        for cp in w_copies(eid, 0):
            cp.start()

    @pl.when((i < n_active) & (bnd == 1))
    def _():
        for cp in w_copies(eid, par):
            cp.wait()

        @pl.when(nxt >= 0)
        def _():
            for cp in w_copies(nxt, 1 - par):
                cp.start()

    @pl.when(i < n_active)
    def _():
        x = xs_ref[...]
        g = jnp.dot(x, wgb[par], preferred_element_type=jnp.float32)
        u = jnp.dot(x, wub[par], preferred_element_type=jnp.float32)
        h = (g * jax.nn.sigmoid(g)) * u
        ys_ref[...] = jnp.dot(h, wdb[par], preferred_element_type=jnp.float32)


def _gmm(meta, xs, gate_w, up_w, down_w):
    grid_spec = pltpu.PrefetchScalarGridSpec(
        num_scalar_prefetch=1,
        grid=(NT,),
        in_specs=[
            pl.BlockSpec((BT, D), lambda i, m: (i, 0)),
            pl.BlockSpec(memory_space=pl.ANY),
            pl.BlockSpec(memory_space=pl.ANY),
            pl.BlockSpec(memory_space=pl.ANY),
        ],
        out_specs=pl.BlockSpec((BT, D), lambda i, m: (i, 0)),
        scratch_shapes=[
            pltpu.VMEM((2, D, F), jnp.float32),
            pltpu.VMEM((2, D, F), jnp.float32),
            pltpu.VMEM((2, F, D), jnp.float32),
            pltpu.SemaphoreType.DMA((2, 3)),
        ],
    )
    return pl.pallas_call(
        _gmm_body,
        grid_spec=grid_spec,
        out_shape=jax.ShapeDtypeStruct((P, D), jnp.float32),
        compiler_params=pltpu.CompilerParams(
            dimension_semantics=("arbitrary",),
            vmem_limit_bytes=110 * 1024 * 1024,
        ),
    )(meta, xs, gate_w, up_w, down_w)



def _combine_gather(ys, pos_t):
    per_w = 2 * T // NW
    ch = COMB_CH
    n_ch = per_w // ch
    mesh = plsc.VectorSubcoreMesh(core_axis_name="c", subcore_axis_name="s")

    @functools.partial(
        pl.kernel,
        mesh=mesh,
        out_type=jax.ShapeDtypeStruct((2 * T, D), jnp.float32),
        scratch_types=[
            pltpu.VMEM((per_w,), jnp.int32),
            pltpu.VMEM((ch, D), jnp.float32),
            pltpu.VMEM((ch, D), jnp.float32),
            pltpu.SemaphoreType.DMA,
            pltpu.SemaphoreType.DMA,
            pltpu.SemaphoreType.DMA,
            pltpu.SemaphoreType.DMA,
        ],
    )
    def comb(ys_hbm, pos_hbm, ab_hbm, idx_v, b0, b1, g0, g1, w0, w1):
        wid = lax.axis_index("s") * 2 + lax.axis_index("c")
        base = wid * per_w
        pltpu.sync_copy(pos_hbm.at[pl.ds(base, per_w)], idx_v)
        bufs = (b0, b1)
        gsems = (g0, g1)
        wsems = (w0, w1)
        gathers = {}
        writes = {}
        for c in range(min(2, n_ch)):
            gathers[c] = pltpu.async_copy(
                ys_hbm.at[idx_v.at[pl.ds(c * ch, ch)]], bufs[c], gsems[c])
        for c in range(n_ch):
            k = c % 2
            gathers[c].wait()
            writes[c] = pltpu.async_copy(
                bufs[k], ab_hbm.at[pl.ds(base + c * ch, ch)], wsems[k])
            if c + 2 < n_ch:
                writes[c].wait()
                gathers[c + 2] = pltpu.async_copy(
                    ys_hbm.at[idx_v.at[pl.ds((c + 2) * ch, ch)]], bufs[k], gsems[k])
        for c in sorted(writes)[-2:]:
            if c + 2 >= n_ch:
                writes[c].wait()

    return comb(ys, pos_t)



ADD_BT = 512


def _wadd_body(a_ref, b_ref, w0_ref, w1_ref, o_ref):
    o_ref[...] = a_ref[...] * w0_ref[...] + b_ref[...] * w1_ref[...]


def _weighted_add(ab, topw):
    w0 = topw[:, 0:1]
    w1 = topw[:, 1:2]
    return pl.pallas_call(
        _wadd_body,
        grid=(T // ADD_BT,),
        in_specs=[
            pl.BlockSpec((ADD_BT, D), lambda i: (i, 0)),
            pl.BlockSpec((ADD_BT, D), lambda i: (i + T // ADD_BT, 0)),
            pl.BlockSpec((ADD_BT, 1), lambda i: (i, 0)),
            pl.BlockSpec((ADD_BT, 1), lambda i: (i, 0)),
        ],
        out_specs=pl.BlockSpec((ADD_BT, D), lambda i: (i, 0)),
        out_shape=jax.ShapeDtypeStruct((T, D), jnp.float32),
    )(ab, ab, w0, w1)



def kernel(hidden_states, w_gate, w_u, w_g, w_d):
    gate_w, up_w, down_w = w_u, w_g, w_d
    b, s, d = hidden_states.shape
    x = hidden_states.reshape(-1, d)
    sel, topw, rank, cnt, aux = _router(x, w_gate)
    pos, meta = _routing_plan(sel, rank, cnt)
    xs = _dispatch(x, pos)
    ys = _gmm(meta, xs, gate_w, up_w, down_w)
    ab = _combine_gather(ys, pos)
    final = _weighted_add(ab, topw)
    return final.reshape(b, s, d), aux.reshape(())

# --- scband reference (transcript-rebuilt; emitter-appended) ---
"""Pipeline reference for scband-mo-elayer-88424786690749 (READ-ONLY COPY).

The authoritative reference and input builder live on the scoring server;
editing this copy changes nothing except your own understanding.
"""

import jax, jax.numpy as jnp
import numpy as np

B, S, D, F, E, TOP_K = 1, 2048, 768, 2048, 8, 2

def setup_inputs(seed: int = 0) -> dict:
    key = jax.random.key(seed)
    ks = jax.random.split(key, 5)
    return {
        "hidden_states": jax.random.normal(ks[0], (B, S, D), dtype=jnp.float32),
        "w_gate": jax.random.normal(ks[1], (E, D), dtype=jnp.float32) * 0.02,
        "w_g": jax.random.normal(ks[2], (E, D, F), dtype=jnp.float32) * 0.02,
        "w_u": jax.random.normal(ks[3], (E, D, F), dtype=jnp.float32) * 0.02,
        "w_d": jax.random.normal(ks[4], (E, F, D), dtype=jnp.float32) * 0.02,
    }

def reference(hidden_states, w_gate, w_u=None, w_g=None, w_d=None, **kw):
    # accept either keyword order
    pass

def reference(hidden_states, w_gate, w_g, w_u, w_d):
    b, s, d = hidden_states.shape
    x = hidden_states.reshape(-1, d)
    t = x.shape[0]
    e = w_gate.shape[0]
    # router (gate is nn.Linear without bias: logits = x @ W.T)
    router_logits = x @ w_gate.T
    routing_weights = jax.nn.softmax(router_logits.astype(jnp.float32), axis=1)
    rw, selected_experts = jax.lax.top_k(routing_weights, TOP_K)
    rw = rw / jnp.sum(rw, axis=-1, keepdims=True)
    # per-token combine weights over experts (mathematically identical to the
    # torch masked per-expert loop: each token gets sum of its top-k weights)
    combine = jnp.zeros((t, e), dtype=x.dtype).at[jnp.arange(t)[:, None], selected_experts].add(rw.astype(x.dtype))
    # SwiGLU experts, computed densely for all experts then weighted-combined
    gate = jnp.einsum('td,edf->tef', x, w_g)
    up = jnp.einsum('td,edf->tef', x, w_u)
    h = jax.nn.silu(gate) * up
    down = jnp.einsum('tef,efd->ted', h, w_d)
    final = jnp.einsum('ted,te->td', down, combine)
    final = final.reshape(b, s, d)
    # aux loss: router z-loss only (matches _compute_aux_loss)
    z = jax.scipy.special.logsumexp(router_logits, axis=-1)
    aux_loss = 0.001 * jnp.mean(z ** 2)
    return (final, aux_loss)

if __name__ == "__main__":
    import jax
    _d = setup_inputs()
    print(jax.jit(kernel)(*tuple(_d.values())))

</pallas_src>

<mosaic_0001>
#map = affine_map<(d0, d1) -> (0, 0)>
#map1 = affine_map<(d0, d1) -> (0)>
module attributes {stable_mosaic.version = 14 : i64} {
  func.func @comb(%arg0: i32, %arg1: i32, %arg2: memref<6144x768xf32, #tpu.memory_space<hbm>>, %arg3: memref<4096xi32, #tpu.memory_space<hbm>>, %arg4: memref<4096x768xf32, #tpu.memory_space<hbm>>, %arg5: memref<128xi32, #tpu.memory_space<vmem>>, %arg6: memref<32x768xf32, #tpu.memory_space<vmem>>, %arg7: memref<32x768xf32, #tpu.memory_space<vmem>>, %arg8: memref<!tpu.dma_semaphore, #tpu.memory_space<semaphore_mem>>, %arg9: memref<!tpu.dma_semaphore, #tpu.memory_space<semaphore_mem>>, %arg10: memref<!tpu.dma_semaphore, #tpu.memory_space<semaphore_mem>>, %arg11: memref<!tpu.dma_semaphore, #tpu.memory_space<semaphore_mem>>) attributes {dimension_semantics = [#tpu.dimension_semantics<core_parallel>, #tpu.dimension_semantics<subcore_parallel>], iteration_bounds = array<i64: 2, 16>, scalar_prefetch = 0 : i64, scratch_operands = 7 : i64, tpu.core_type = #tpu.core_type<sc_vector_subcore>, window_params = [{transform_indices = #map}, {transform_indices = #map1}, {transform_indices = #map}]} {
    %mul3A = arith.constant 2 : i32
    %mul3A_0 = arith.muli %arg1, %mul3A : i32
    %add3A = arith.addi %mul3A_0, %arg0 : i32
    %mul3A_1 = arith.constant 128 : i32
    %mul3A_2 = arith.muli %add3A, %mul3A_1 : i32
    "tpu.region"() ({
      %run_scoped3A = tpu.sem_alloc : memref<!tpu.dma_semaphore, #tpu.memory_space<semaphore_mem>>
      %dma_start3A_81 = tpu.memref_slice %arg3[%mul3A_2] : memref<4096xi32, #tpu.memory_space<hbm>> -> memref<128xi32, #tpu.memory_space<hbm>>
      %dma_start3A_82 = tpu.memref_slice %arg3[%mul3A_2] : memref<4096xi32, #tpu.memory_space<hbm>> -> memref<128xi32, #tpu.memory_space<hbm>>
      tpu.enqueue_dma source(%dma_start3A_82 : memref<128xi32, #tpu.memory_space<hbm>>) target(%arg5 : memref<128xi32, #tpu.memory_space<vmem>>) target_semaphore(%run_scoped3A : memref<!tpu.dma_semaphore, #tpu.memory_space<semaphore_mem>>)
      %dma_wait3A_83 = tpu.memref_slice %arg3[%mul3A_2] : memref<4096xi32, #tpu.memory_space<hbm>> -> memref<128xi32, #tpu.memory_space<hbm>>
      %dma_wait3A_84 = tpu.memref_slice %arg3[%mul3A_2] : memref<4096xi32, #tpu.memory_space<hbm>> -> memref<128xi32, #tpu.memory_space<hbm>>
      tpu.wait_dma2 semaphore(%run_scoped3A : memref<!tpu.dma_semaphore, #tpu.memory_space<semaphore_mem>>) src(%dma_wait3A_84 : memref<128xi32, #tpu.memory_space<hbm>>) dst(%arg5 : memref<128xi32, #tpu.memory_space<vmem>>)
      tpu.yield
    }) : () -> ()
    %dma_start3A = arith.constant 0 : i32
    %dma_start3A_3 = tpu.memref_slice %arg5[%dma_start3A] : memref<128xi32, #tpu.memory_space<vmem>> -> memref<32xi32, #tpu.memory_space<vmem>>
    %dma_start3A_4 = arith.constant 0 : i32
    %dma_start3A_5 = arith.constant 0 : i32
    %dma_start3A_6 = tpu.memref_slice %arg2[%dma_start3A_4, %dma_start3A_5] : memref<6144x768xf32, #tpu.memory_space<hbm>> -> memref<6144x768xf32, #tpu.memory_space<hbm>>
    tpu.enqueue_indirect_dma source(%dma_start3A_6 : memref<6144x768xf32, #tpu.memory_space<hbm>>) target(%arg6 : memref<32x768xf32, #tpu.memory_space<vmem>>) offsets(%dma_start3A_3 : memref<32xi32, #tpu.memory_space<vmem>>) semaphore(%arg8 : memref<!tpu.dma_semaphore, #tpu.memory_space<semaphore_mem>>)
    %dma_start3A_7 = arith.constant 32 : i32
    %dma_start3A_8 = tpu.memref_slice %arg5[%dma_start3A_7] : memref<128xi32, #tpu.memory_space<vmem>> -> memref<32xi32, #tpu.memory_space<vmem>>
    %dma_start3A_9 = arith.constant 0 : i32
    %dma_start3A_10 = arith.constant 0 : i32
    %dma_start3A_11 = tpu.memref_slice %arg2[%dma_start3A_9, %dma_start3A_10] : memref<6144x768xf32, #tpu.memory_space<hbm>> -> memref<6144x768xf32, #tpu.memory_space<hbm>>
    tpu.enqueue_indirect_dma source(%dma_start3A_11 : memref<6144x768xf32, #tpu.memory_space<hbm>>) target(%arg7 : memref<32x768xf32, #tpu.memory_space<vmem>>) offsets(%dma_start3A_8 : memref<32xi32, #tpu.memory_space<vmem>>) semaphore(%arg9 : memref<!tpu.dma_semaphore, #tpu.memory_space<semaphore_mem>>)
    %dma_wait3A = arith.constant 0 : i32
    %dma_wait3A_12 = tpu.memref_slice %arg5[%dma_wait3A] : memref<128xi32, #tpu.memory_space<vmem>> -> memref<32xi32, #tpu.memory_space<vmem>>
    %dma_wait3A_13 = arith.constant 0 : i32
    %dma_wait3A_14 = arith.constant 0 : i32
    %dma_wait3A_15 = tpu.memref_slice %arg2[%dma_wait3A_13, %dma_wait3A_14] : memref<6144x768xf32, #tpu.memory_space<hbm>> -> memref<6144x768xf32, #tpu.memory_space<hbm>>
    tpu.wait_indirect_dma semaphore(%arg8 : memref<!tpu.dma_semaphore, #tpu.memory_space<semaphore_mem>>) src(%dma_wait3A_15 : memref<6144x768xf32, #tpu.memory_space<hbm>>) dst(%arg6 : memref<32x768xf32, #tpu.memory_space<vmem>>)
    %add3A_16 = arith.constant 0 : i32
    %add3A_17 = arith.addi %mul3A_2, %add3A_16 : i32
    %dma_start3A_18 = arith.constant 0 : i32
    %dma_start3A_19 = tpu.memref_slice %arg4[%add3A_17, %dma_start3A_18] : memref<4096x768xf32, #tpu.memory_space<hbm>> -> memref<32x768xf32, #tpu.memory_space<hbm>>
    %dma_start3A_20 = arith.constant 0 : i32
    %dma_start3A_21 = tpu.memref_slice %arg4[%add3A_17, %dma_start3A_20] : memref<4096x768xf32, #tpu.memory_space<hbm>> -> memref<32x768xf32, #tpu.memory_space<hbm>>
    tpu.enqueue_dma source(%arg6 : memref<32x768xf32, #tpu.memory_space<vmem>>) target(%dma_start3A_21 : memref<32x768xf32, #tpu.memory_space<hbm>>) target_semaphore(%arg10 : memref<!tpu.dma_semaphore, #tpu.memory_space<semaphore_mem>>)
    %dma_wait3A_22 = arith.constant 0 : i32
    %dma_wait3A_23 = tpu.memref_slice %arg4[%add3A_17, %dma_wait3A_22] : memref<4096x768xf32, #tpu.memory_space<hbm>> -> memref<32x768xf32, #tpu.memory_space<hbm>>
    %dma_wait3A_24 = arith.constant 0 : i32
    %dma_wait3A_25 = tpu.memref_slice %arg4[%add3A_17, %dma_wait3A_24] : memref<4096x768xf32, #tpu.memory_space<hbm>> -> memref<32x768xf32, #tpu.memory_space<hbm>>
    tpu.wait_dma2 semaphore(%arg10 : memref<!tpu.dma_semaphore, #tpu.memory_space<semaphore_mem>>) src(%arg6 : memref<32x768xf32, #tpu.memory_space<vmem>>) dst(%dma_wait3A_25 : memref<32x768xf32, #tpu.memory_space<hbm>>)
    %dma_start3A_26 = arith.constant 64 : i32
    %dma_start3A_27 = tpu.memref_slice %arg5[%dma_start3A_26] : memref<128xi32, #tpu.memory_space<vmem>> -> memref<32xi32, #tpu.memory_space<vmem>>
    %dma_start3A_28 = arith.constant 0 : i32
    %dma_start3A_29 = arith.constant 0 : i32
    %dma_start3A_30 = tpu.memref_slice %arg2[%dma_start3A_28, %dma_start3A_29] : memref<6144x768xf32, #tpu.memory_space<hbm>> -> memref<6144x768xf32, #tpu.memory_space<hbm>>
    tpu.enqueue_indirect_dma source(%dma_start3A_30 : memref<6144x768xf32, #tpu.memory_space<hbm>>) target(%arg6 : memref<32x768xf32, #tpu.memory_space<vmem>>) offsets(%dma_start3A_27 : memref<32xi32, #tpu.memory_space<vmem>>) semaphore(%arg8 : memref<!tpu.dma_semaphore, #tpu.memory_space<semaphore_mem>>)
    %dma_wait3A_31 = arith.constant 32 : i32
    %dma_wait3A_32 = tpu.memref_slice %arg5[%dma_wait3A_31] : memref<128xi32, #tpu.memory_space<vmem>> -> memref<32xi32, #tpu.memory_space<vmem>>
    %dma_wait3A_33 = arith.constant 0 : i32
    %dma_wait3A_34 = arith.constant 0 : i32
    %dma_wait3A_35 = tpu.memref_slice %arg2[%dma_wait3A_33, %dma_wait3A_34] : memref<6144x768xf32, #tpu.memory_space<hbm>> -> memref<6144x768xf32, #tpu.memory_space<hbm>>
    tpu.wait_indirect_dma semaphore(%arg9 : memref<!tpu.dma_semaphore, #tpu.memory_space<semaphore_mem>>) src(%dma_wait3A_35 : memref<6144x768xf32, #tpu.memory_space<hbm>>) dst(%arg7 : memref<32x768xf32, #tpu.memory_space<vmem>>)
    %add3A_36 = arith.constant 32 : i32
    %add3A_37 = arith.addi %mul3A_2, %add3A_36 : i32
    %dma_start3A_38 = arith.constant 0 : i32
    %dma_start3A_39 = tpu.memref_slice %arg4[%add3A_37, %dma_start3A_38] : memref<4096x768xf32, #tpu.memory_space<hbm>> -> memref<32x768xf32, #tpu.memory_space<hbm>>
    %dma_start3A_40 = arith.constant 0 : i32
    %dma_start3A_41 = tpu.memref_slice %arg4[%add3A_37, %dma_start3A_40] : memref<4096x768xf32, #tpu.memory_space<hbm>> -> memref<32x768xf32, #tpu.memory_space<hbm>>
    tpu.enqueue_dma source(%arg7 : memref<32x768xf32, #tpu.memory_space<vmem>>) target(%dma_start3A_41 : memref<32x768xf32, #tpu.memory_space<hbm>>) target_semaphore(%arg11 : memref<!tpu.dma_semaphore, #tpu.memory_space<semaphore_mem>>)
    %dma_wait3A_42 = arith.constant 0 : i32
    %dma_wait3A_43 = tpu.memref_slice %arg4[%add3A_37, %dma_wait3A_42] : memref<4096x768xf32, #tpu.memory_space<hbm>> -> memref<32x768xf32, #tpu.memory_space<hbm>>
    %dma_wait3A_44 = arith.constant 0 : i32
    %dma_wait3A_45 = tpu.memref_slice %arg4[%add3A_37, %dma_wait3A_44] : memref<4096x768xf32, #tpu.memory_space<hbm>> -> memref<32x768xf32, #tpu.memory_space<hbm>>
    tpu.wait_dma2 semaphore(%arg11 : memref<!tpu.dma_semaphore, #tpu.memory_space<semaphore_mem>>) src(%arg7 : memref<32x768xf32, #tpu.memory_space<vmem>>) dst(%dma_wait3A_45 : memref<32x768xf32, #tpu.memory_space<hbm>>)
    %dma_start3A_46 = arith.constant 96 : i32
    %dma_start3A_47 = tpu.memref_slice %arg5[%dma_start3A_46] : memref<128xi32, #tpu.memory_space<vmem>> -> memref<32xi32, #tpu.memory_space<vmem>>
    %dma_start3A_48 = arith.constant 0 : i32
    %dma_start3A_49 = arith.constant 0 : i32
    %dma_start3A_50 = tpu.memref_slice %arg2[%dma_start3A_48, %dma_start3A_49] : memref<6144x768xf32, #tpu.memory_space<hbm>> -> memref<6144x768xf32, #tpu.memory_space<hbm>>
    tpu.enqueue_indirect_dma source(%dma_start3A_50 : memref<6144x768xf32, #tpu.memory_space<hbm>>) target(%arg7 : memref<32x768xf32, #tpu.memory_space<vmem>>) offsets(%dma_start3A_47 : memref<32xi32, #tpu.memory_space<vmem>>) semaphore(%arg9 : memref<!tpu.dma_semaphore, #tpu.memory_space<semaphore_mem>>)
    %dma_wait3A_51 = arith.constant 64 : i32
    %dma_wait3A_52 = tpu.memref_slice %arg5[%dma_wait3A_51] : memref<128xi32, #tpu.memory_space<vmem>> -> memref<32xi32, #tpu.memory_space<vmem>>
    %dma_wait3A_53 = arith.constant 0 : i32
    %dma_wait3A_54 = arith.constant 0 : i32
    %dma_wait3A_55 = tpu.memref_slice %arg2[%dma_wait3A_53, %dma_wait3A_54] : memref<6144x768xf32, #tpu.memory_space<hbm>> -> memref<6144x768xf32, #tpu.memory_space<hbm>>
    tpu.wait_indirect_dma semaphore(%arg8 : memref<!tpu.dma_semaphore, #tpu.memory_space<semaphore_mem>>) src(%dma_wait3A_55 : memref<6144x768xf32, #tpu.memory_space<hbm>>) dst(%arg6 : memref<32x768xf32, #tpu.memory_space<vmem>>)
    %add3A_56 = arith.constant 64 : i32
    %add3A_57 = arith.addi %mul3A_2, %add3A_56 : i32
    %dma_start3A_58 = arith.constant 0 : i32
    %dma_start3A_59 = tpu.memref_slice %arg4[%add3A_57, %dma_start3A_58] : memref<4096x768xf32, #tpu.memory_space<hbm>> -> memref<32x768xf32, #tpu.memory_space<hbm>>
    %dma_start3A_60 = arith.constant 0 : i32
    %dma_start3A_61 = tpu.memref_slice %arg4[%add3A_57, %dma_start3A_60] : memref<4096x768xf32, #tpu.memory_space<hbm>> -> memref<32x768xf32, #tpu.memory_space<hbm>>
    tpu.enqueue_dma source(%arg6 : memref<32x768xf32, #tpu.memory_space<vmem>>) target(%dma_start3A_61 : memref<32x768xf32, #tpu.memory_space<hbm>>) target_semaphore(%arg10 : memref<!tpu.dma_semaphore, #tpu.memory_space<semaphore_mem>>)
    %dma_wait3A_62 = arith.constant 96 : i32
    %dma_wait3A_63 = tpu.memref_slice %arg5[%dma_wait3A_62] : memref<128xi32, #tpu.memory_space<vmem>> -> memref<32xi32, #tpu.memory_space<vmem>>
    %dma_wait3A_64 = arith.constant 0 : i32
    %dma_wait3A_65 = arith.constant 0 : i32
    %dma_wait3A_66 = tpu.memref_slice %arg2[%dma_wait3A_64, %dma_wait3A_65] : memref<6144x768xf32, #tpu.memory_space<hbm>> -> memref<6144x768xf32, #tpu.memory_space<hbm>>
    tpu.wait_indirect_dma semaphore(%arg9 : memref<!tpu.dma_semaphore, #tpu.memory_space<semaphore_mem>>) src(%dma_wait3A_66 : memref<6144x768xf32, #tpu.memory_space<hbm>>) dst(%arg7 : memref<32x768xf32, #tpu.memory_space<vmem>>)
    %add3A_67 = arith.constant 96 : i32
    %add3A_68 = arith.addi %mul3A_2, %add3A_67 : i32
    %dma_start3A_69 = arith.constant 0 : i32
    %dma_start3A_70 = tpu.memref_slice %arg4[%add3A_68, %dma_start3A_69] : memref<4096x768xf32, #tpu.memory_space<hbm>> -> memref<32x768xf32, #tpu.memory_space<hbm>>
    %dma_start3A_71 = arith.constant 0 : i32
    %dma_start3A_72 = tpu.memref_slice %arg4[%add3A_68, %dma_start3A_71] : memref<4096x768xf32, #tpu.memory_space<hbm>> -> memref<32x768xf32, #tpu.memory_space<hbm>>
    tpu.enqueue_dma source(%arg7 : memref<32x768xf32, #tpu.memory_space<vmem>>) target(%dma_start3A_72 : memref<32x768xf32, #tpu.memory_space<hbm>>) target_semaphore(%arg11 : memref<!tpu.dma_semaphore, #tpu.memory_space<semaphore_mem>>)
    %dma_wait3A_73 = arith.constant 0 : i32
    %dma_wait3A_74 = tpu.memref_slice %arg4[%add3A_57, %dma_wait3A_73] : memref<4096x768xf32, #tpu.memory_space<hbm>> -> memref<32x768xf32, #tpu.memory_space<hbm>>
    %dma_wait3A_75 = arith.constant 0 : i32
    %dma_wait3A_76 = tpu.memref_slice %arg4[%add3A_57, %dma_wait3A_75] : memref<4096x768xf32, #tpu.memory_space<hbm>> -> memref<32x768xf32, #tpu.memory_space<hbm>>
    tpu.wait_dma2 semaphore(%arg10 : memref<!tpu.dma_semaphore, #tpu.memory_space<semaphore_mem>>) src(%arg6 : memref<32x768xf32, #tpu.memory_space<vmem>>) dst(%dma_wait3A_76 : memref<32x768xf32, #tpu.memory_space<hbm>>)
    %dma_wait3A_77 = arith.constant 0 : i32
    %dma_wait3A_78 = tpu.memref_slice %arg4[%add3A_68, %dma_wait3A_77] : memref<4096x768xf32, #tpu.memory_space<hbm>> -> memref<32x768xf32, #tpu.memory_space<hbm>>
    %dma_wait3A_79 = arith.constant 0 : i32
    %dma_wait3A_80 = tpu.memref_slice %arg4[%add3A_68, %dma_wait3A_79] : memref<4096x768xf32, #tpu.memory_space<hbm>> -> memref<32x768xf32, #tpu.memory_space<hbm>>
    tpu.wait_dma2 semaphore(%arg11 : memref<!tpu.dma_semaphore, #tpu.memory_space<semaphore_mem>>) src(%arg7 : memref<32x768xf32, #tpu.memory_space<vmem>>) dst(%dma_wait3A_80 : memref<32x768xf32, #tpu.memory_space<hbm>>)
    return
  }
}

#map = affine_map<(d0, d1) -> (0, 0)>
#map1 = affine_map<(d0, d1) -> (0)>
module attributes {stable_mosaic.version = 14 : i64} {
  func.func @disp(%arg0: i32, %arg1: i32, %arg2: memref<2048x768xf32, #tpu.memory_space<hbm>>, %arg3: memref<4096xi32, #tpu.memory_space<hbm>>, %arg4: memref<6144x768xf32, #tpu.memory_space<hbm>>, %arg5: memref<128xi32, #tpu.memory_space<vmem>>, %arg6: memref<128x768xf32, #tpu.memory_space<vmem>>, %arg7: memref<!tpu.dma_semaphore, #tpu.memory_space<semaphore_mem>>) attributes {dimension_semantics = [#tpu.dimension_semantics<core_parallel>, #tpu.dimension_semantics<subcore_parallel>], iteration_bounds = array<i64: 2, 16>, scalar_prefetch = 0 : i64, scratch_operands = 3 : i64, tpu.core_type = #tpu.core_type<sc_vector_subcore>, window_params = [{transform_indices = #map}, {transform_indices = #map1}, {transform_indices = #map}]} {
    %mul3A = arith.constant 2 : i32
    %mul3A_0 = arith.muli %arg1, %mul3A : i32
    %add3A = arith.addi %mul3A_0, %arg0 : i32
    %mul3A_1 = arith.constant 128 : i32
    %mul3A_2 = arith.muli %add3A, %mul3A_1 : i32
    "tpu.region"() ({
      %run_scoped3A = tpu.sem_alloc : memref<!tpu.dma_semaphore, #tpu.memory_space<semaphore_mem>>
      %dma_start3A_10 = tpu.memref_slice %arg3[%mul3A_2] : memref<4096xi32, #tpu.memory_space<hbm>> -> memref<128xi32, #tpu.memory_space<hbm>>
      %dma_start3A_11 = tpu.memref_slice %arg3[%mul3A_2] : memref<4096xi32, #tpu.memory_space<hbm>> -> memref<128xi32, #tpu.memory_space<hbm>>
      tpu.enqueue_dma source(%dma_start3A_11 : memref<128xi32, #tpu.memory_space<hbm>>) target(%arg5 : memref<128xi32, #tpu.memory_space<vmem>>) target_semaphore(%run_scoped3A : memref<!tpu.dma_semaphore, #tpu.memory_space<semaphore_mem>>)
      %dma_wait3A_12 = tpu.memref_slice %arg3[%mul3A_2] : memref<4096xi32, #tpu.memory_space<hbm>> -> memref<128xi32, #tpu.memory_space<hbm>>
      %dma_wait3A_13 = tpu.memref_slice %arg3[%mul3A_2] : memref<4096xi32, #tpu.memory_space<hbm>> -> memref<128xi32, #tpu.memory_space<hbm>>
      tpu.wait_dma2 semaphore(%run_scoped3A : memref<!tpu.dma_semaphore, #tpu.memory_space<semaphore_mem>>) src(%dma_wait3A_13 : memref<128xi32, #tpu.memory_space<hbm>>) dst(%arg5 : memref<128xi32, #tpu.memory_space<vmem>>)
      tpu.yield
    }) : () -> ()
    %rem3A = arith.constant 16 : i32
    %rem3A_3 = arith.remsi %add3A, %rem3A : i32
    %mul3A_4 = arith.constant 128 : i32
    %mul3A_5 = arith.muli %rem3A_3, %mul3A_4 : i32
    "tpu.region"() ({
      %run_scoped3A = tpu.sem_alloc : memref<!tpu.dma_semaphore, #tpu.memory_space<semaphore_mem>>
      %dma_start3A_10 = arith.constant 0 : i32
      %dma_start3A_11 = tpu.memref_slice %arg2[%mul3A_5, %dma_start3A_10] : memref<2048x768xf32, #tpu.memory_space<hbm>> -> memref<128x768xf32, #tpu.memory_space<hbm>>
      %dma_start3A_12 = arith.constant 0 : i32
      %dma_start3A_13 = tpu.memref_slice %arg2[%mul3A_5, %dma_start3A_12] : memref<2048x768xf32, #tpu.memory_space<hbm>> -> memref<128x768xf32, #tpu.memory_space<hbm>>
      tpu.enqueue_dma source(%dma_start3A_13 : memref<128x768xf32, #tpu.memory_space<hbm>>) target(%arg6 : memref<128x768xf32, #tpu.memory_space<vmem>>) target_semaphore(%run_scoped3A : memref<!tpu.dma_semaphore, #tpu.memory_space<semaphore_mem>>)
      %dma_wait3A_14 = arith.constant 0 : i32
      %dma_wait3A_15 = tpu.memref_slice %arg2[%mul3A_5, %dma_wait3A_14] : memref<2048x768xf32, #tpu.memory_space<hbm>> -> memref<128x768xf32, #tpu.memory_space<hbm>>
      %dma_wait3A_16 = arith.constant 0 : i32
      %dma_wait3A_17 = tpu.memref_slice %arg2[%mul3A_5, %dma_wait3A_16] : memref<2048x768xf32, #tpu.memory_space<hbm>> -> memref<128x768xf32, #tpu.memory_space<hbm>>
      tpu.wait_dma2 semaphore(%run_scoped3A : memref<!tpu.dma_semaphore, #tpu.memory_space<semaphore_mem>>) src(%dma_wait3A_17 : memref<128x768xf32, #tpu.memory_space<hbm>>) dst(%arg6 : memref<128x768xf32, #tpu.memory_space<vmem>>)
      tpu.yield
    }) : () -> ()
    %dma_start3A = arith.constant 0 : i32
    %dma_start3A_6 = arith.constant 0 : i32
    %dma_start3A_7 = tpu.memref_slice %arg4[%dma_start3A, %dma_start3A_6] : memref<6144x768xf32, #tpu.memory_space<hbm>> -> memref<6144x768xf32, #tpu.memory_space<hbm>>
    tpu.enqueue_indirect_dma source(%arg6 : memref<128x768xf32, #tpu.memory_space<vmem>>) target(%dma_start3A_7 : memref<6144x768xf32, #tpu.memory_space<hbm>>) offsets(%arg5 : memref<128xi32, #tpu.memory_space<vmem>>) semaphore(%arg7 : memref<!tpu.dma_semaphore, #tpu.memory_space<semaphore_mem>>)
    %dma_wait3A = arith.constant 0 : i32
    %dma_wait3A_8 = arith.constant 0 : i32
    %dma_wait3A_9 = tpu.memref_slice %arg4[%dma_wait3A, %dma_wait3A_8] : memref<6144x768xf32, #tpu.memory_space<hbm>> -> memref<6144x768xf32, #tpu.memory_space<hbm>>
    tpu.wait_indirect_dma semaphore(%arg7 : memref<!tpu.dma_semaphore, #tpu.memory_space<semaphore_mem>>) src(%arg6 : memref<128x768xf32, #tpu.memory_space<vmem>>) dst(%dma_wait3A_9 : memref<6144x768xf32, #tpu.memory_space<hbm>>)
    return
  }
}

module attributes {stable_mosaic.version = 14 : i64} {
  func.func @_router_body(%arg0: i32, %arg1: memref<512x768xf32, #tpu.memory_space<vmem>>, %arg2: memref<768x128xf32, #tpu.memory_space<vmem>>, %arg3: memref<512x2xi32, #tpu.memory_space<vmem>>, %arg4: memref<512x2xf32, #tpu.memory_space<vmem>>, %arg5: memref<512x2xi32, #tpu.memory_space<vmem>>, %arg6: memref<1x128xf32, #tpu.memory_space<vmem>>, %arg7: memref<1x1xf32, #tpu.memory_space<smem>>, %arg8: memref<1x1xf32, #tpu.memory_space<smem>>, %arg9: memref<1x128xf32, #tpu.memory_space<vmem>>) attributes {dimension_semantics = [#tpu.dimension_semantics<arbitrary>], iteration_bounds = array<i64: 4>, scalar_prefetch = 0 : i64, scratch_operands = 2 : i64, tpu.core_type = #tpu.core_type<tc>, window_params = [{transform_indices = @transform_0, window_bounds = array<i64: 512, 768>}, {pipeline_mode = #tpu.pipeline_mode<synchronous>, transform_indices = @transform_1, window_bounds = array<i64: 768, 128>}, {transform_indices = @transform_2, window_bounds = array<i64: 512, 2>}, {transform_indices = @transform_3, window_bounds = array<i64: 512, 2>}, {transform_indices = @transform_4, window_bounds = array<i64: 512, 2>}, {pipeline_mode = #tpu.pipeline_mode<synchronous>, transform_indices = @transform_5, window_bounds = array<i64: 1, 128>}, {transform_indices = @transform_6, window_bounds = array<i64: 1, 1>}]} {
    %get3A = arith.constant 0 : index
    %get3A_0 = arith.constant 0 : index
    %get3A_1 = vector.load %arg1[%get3A, %get3A_0] : memref<512x768xf32, #tpu.memory_space<vmem>>, vector<512x768xf32>
    %get3A_2 = arith.constant 0 : index
    %get3A_3 = arith.constant 0 : index
    %get3A_4 = vector.load %arg2[%get3A_2, %get3A_3] : memref<768x128xf32, #tpu.memory_space<vmem>>, vector<768x128xf32>
    %dot_general3A = arith.constant dense<0.000000e+00> : vector<512x128xf32>
    %dot_general3A_5 = tpu.matmul %get3A_1, %get3A_4, %dot_general3A {dimension_numbers = #tpu.dot_dimension_numbers<[1], [0], [0], [1], [0, 0, 1, 1], [], []>, transpose_lhs_hint = false} : vector<512x768xf32>, vector<768x128xf32>, vector<512x128xf32> -> vector<512x128xf32>
    %iota3A = tpu.iota {dimensions = array<i32: 1>} : vector<512x128xi32>
    %lt3A = arith.constant 8 : i32
    %lt3A_6 = vector.broadcast %lt3A : i32 to vector<512x128xi32>
    %lt3A_7 = arith.cmpi slt, %iota3A, %lt3A_6 : vector<512x128xi32>
    %jit3A = arith.constant 0xFF800000 : f32
    %broadcast_in_dim3A = vector.broadcast %jit3A : f32 to vector<512x128xf32>
    %select_n3A = arith.select %lt3A_7, %dot_general3A_5, %broadcast_in_dim3A : vector<512x128xi1>, vector<512x128xf32>
    %reduce_max3A = arith.constant dense<0xFF800000> : vector<512xf32>
    %reduce_max3A_8 = vector.multi_reduction <maximumf>, %select_n3A, %reduce_max3A [1] : vector<512x128xf32> to vector<512xf32>
    %broadcast_in_dim3A_9 = vector.shape_cast %reduce_max3A_8 : vector<512xf32> to vector<512x1xf32>
    %sub3A = vector.broadcast %broadcast_in_dim3A_9 : vector<512x1xf32> to vector<512x128xf32>
    %sub3A_10 = arith.subf %select_n3A, %sub3A : vector<512x128xf32>
    %exp3A = math.exp %sub3A_10 : vector<512x128xf32>
    %reduce_sum3A = arith.constant dense<0.000000e+00> : vector<512xf32>
    %reduce_sum3A_11 = vector.multi_reduction <add>, %exp3A, %reduce_sum3A [1] : vector<512x128xf32> to vector<512xf32>
    %broadcast_in_dim3A_12 = vector.shape_cast %reduce_sum3A_11 : vector<512xf32> to vector<512x1xf32>
    %log3A = math.log %broadcast_in_dim3A_12 : vector<512x1xf32>
    %add3A = arith.addf %log3A, %broadcast_in_dim3A_9 : vector<512x1xf32>
    %eq3A = arith.constant 0 : i32
    %eq3A_13 = arith.cmpi eq, %arg0, %eq3A : i32
    %convert_element_type3A = arith.extui %eq3A_13 : i1 to i32
    %cond3A = arith.constant 0 : i32
    %cond3A_14 = arith.cmpi ne, %convert_element_type3A, %cond3A : i32
    scf.if %cond3A_14 {
      %swap3A_170 = arith.constant 0.000000e+00 : f32
      %swap3A_171 = arith.constant 0 : index
      %swap3A_172 = arith.constant 0 : index
      %swap3A_173 = memref.load %arg8[%swap3A_171, %swap3A_172] : memref<1x1xf32, #tpu.memory_space<smem>>
      memref.store %swap3A_170, %arg8[%swap3A_171, %swap3A_172] : memref<1x1xf32, #tpu.memory_space<smem>>
      %broadcast_in_dim3A_174 = arith.constant 0.000000e+00 : f32
      %broadcast_in_dim3A_175 = vector.broadcast %broadcast_in_dim3A_174 : f32 to vector<1x128xf32>
      %swap3A_176 = arith.constant 0 : index
      %swap3A_177 = arith.constant 0 : index
      %swap3A_178 = vector.load %arg9[%swap3A_176, %swap3A_177] : memref<1x128xf32, #tpu.memory_space<vmem>>, vector<1x128xf32>
      tpu.vector_store %arg9[%swap3A_176, %swap3A_177], %broadcast_in_dim3A_175 {strides = array<i32>} : memref<1x128xf32, #tpu.memory_space<vmem>>, vector<1x128xf32>,
    } else {
    }
    %get3A_15 = arith.constant 0 : index
    %get3A_16 = arith.constant 0 : index
    %get3A_17 = memref.load %arg8[%get3A_15, %get3A_16] : memref<1x1xf32, #tpu.memory_space<smem>>
    %mul3A = arith.mulf %add3A, %add3A : vector<512x1xf32>
    %reduce_sum3A_18 = vector.shape_cast %mul3A : vector<512x1xf32> to vector<1x512x1xf32>
    %reduce_sum3A_19 = arith.constant dense<0.000000e+00> : vector<1xf32>
    %reduce_sum3A_20 = vector.multi_reduction <add>, %reduce_sum3A_18, %reduce_sum3A_19 [1, 2] : vector<1x512x1xf32> to vector<1xf32>
    %reduce_sum3A_21 = vector.shape_cast %reduce_sum3A_20 : vector<1xf32> to vector<1x1x1xf32>
    %reduce_sum3A_22 = vector.extract %reduce_sum3A_21[0, 0, 0] : f32 from vector<1x1x1xf32>
    %add3A_23 = arith.addf %get3A_17, %reduce_sum3A_22 : f32
    %swap3A = arith.constant 0 : index
    %swap3A_24 = arith.constant 0 : index
    %swap3A_25 = memref.load %arg8[%swap3A, %swap3A_24] : memref<1x1xf32, #tpu.memory_space<smem>>
    memref.store %add3A_23, %arg8[%swap3A, %swap3A_24] : memref<1x1xf32, #tpu.memory_space<smem>>
    %div3A = vector.broadcast %broadcast_in_dim3A_12 : vector<512x1xf32> to vector<512x128xf32>
    %div3A_26 = arith.divf %exp3A, %div3A : vector<512x128xf32>
    %reduce_max3A_27 = arith.constant dense<0xFF800000> : vector<512xf32>
    %reduce_max3A_28 = vector.multi_reduction <maximumf>, %div3A_26, %reduce_max3A_27 [1] : vector<512x128xf32> to vector<512xf32>
    %broadcast_in_dim3A_29 = vector.shape_cast %reduce_max3A_28 : vector<512xf32> to vector<512x1xf32>
    %eq3A_30 = vector.broadcast %broadcast_in_dim3A_29 : vector<512x1xf32> to vector<512x128xf32>
    %eq3A_31 = arith.cmpf oeq, %div3A_26, %eq3A_30 : vector<512x128xf32>
    %jit3A_32 = arith.constant 999 : i32
    %broadcast_in_dim3A_33 = vector.broadcast %jit3A_32 : i32 to vector<512x128xi32>
    %select_n3A_34 = arith.select %eq3A_31, %iota3A, %broadcast_in_dim3A_33 : vector<512x128xi1>, vector<512x128xi32>
    %reduce_min3A = arith.constant dense<2147483647> : vector<512xi32>
    %reduce_min3A_35 = vector.multi_reduction <minsi>, %select_n3A_34, %reduce_min3A [1] : vector<512x128xi32> to vector<512xi32>
    %broadcast_in_dim3A_36 = vector.shape_cast %reduce_min3A_35 : vector<512xi32> to vector<512x1xi32>
    %eq3A_37 = vector.broadcast %broadcast_in_dim3A_36 : vector<512x1xi32> to vector<512x128xi32>
    %eq3A_38 = arith.cmpi eq, %iota3A, %eq3A_37 : vector<512x128xi32>
    %jit3A_39 = arith.constant -1.000000e+00 : f32
    %broadcast_in_dim3A_40 = vector.broadcast %jit3A_39 : f32 to vector<512x128xf32>
    %select_n3A_41 = arith.select %eq3A_38, %broadcast_in_dim3A_40, %div3A_26 : vector<512x128xi1>, vector<512x128xf32>
    %reduce_max3A_42 = arith.constant dense<0xFF800000> : vector<512xf32>
    %reduce_max3A_43 = vector.multi_reduction <maximumf>, %select_n3A_41, %reduce_max3A_42 [1] : vector<512x128xf32> to vector<512xf32>
    %broadcast_in_dim3A_44 = vector.shape_cast %reduce_max3A_43 : vector<512xf32> to vector<512x1xf32>
    %eq3A_45 = vector.broadcast %broadcast_in_dim3A_44 : vector<512x1xf32> to vector<512x128xf32>
    %eq3A_46 = arith.cmpf oeq, %select_n3A_41, %eq3A_45 : vector<512x128xf32>
    %jit3A_47 = arith.constant 999 : i32
    %broadcast_in_dim3A_48 = vector.broadcast %jit3A_47 : i32 to vector<512x128xi32>
    %select_n3A_49 = arith.select %eq3A_46, %iota3A, %broadcast_in_dim3A_48 : vector<512x128xi1>, vector<512x128xi32>
    %reduce_min3A_50 = arith.constant dense<2147483647> : vector<512xi32>
    %reduce_min3A_51 = vector.multi_reduction <minsi>, %select_n3A_49, %reduce_min3A_50 [1] : vector<512x128xi32> to vector<512xi32>
    %broadcast_in_dim3A_52 = vector.shape_cast %reduce_min3A_51 : vector<512xi32> to vector<512x1xi32>
    %add3A_53 = arith.addf %broadcast_in_dim3A_29, %broadcast_in_dim3A_44 : vector<512x1xf32>
    %div3A_54 = arith.divf %broadcast_in_dim3A_29, %add3A_53 : vector<512x1xf32>
    %div3A_55 = arith.divf %broadcast_in_dim3A_44, %add3A_53 : vector<512x1xf32>
    %eq3A_56 = arith.constant 0 : i32
    %eq3A_57 = vector.broadcast %eq3A_56 : i32 to vector<512x128xi32>
    %eq3A_58 = arith.cmpi eq, %iota3A, %eq3A_57 : vector<512x128xi32>
    %eq3A_59 = arith.constant 1 : i32
    %eq3A_60 = vector.broadcast %eq3A_59 : i32 to vector<512x128xi32>
    %eq3A_61 = arith.cmpi eq, %iota3A, %eq3A_60 : vector<512x128xi32>
    %jit3A_62 = arith.constant 0 : i32
    %broadcast_in_dim3A_63 = vector.shape_cast %broadcast_in_dim3A_52 : vector<512x1xi32> to vector<512x1xi32>
    %broadcast_in_dim3A_64 = vector.broadcast %broadcast_in_dim3A_63 : vector<512x1xi32> to vector<512x128xi32>
    %broadcast_in_dim3A_65 = vector.broadcast %jit3A_62 : i32 to vector<512x128xi32>
    %select_n3A_66 = arith.select %eq3A_61, %broadcast_in_dim3A_64, %broadcast_in_dim3A_65 : vector<512x128xi1>, vector<512x128xi32>
    %broadcast_in_dim3A_67 = vector.shape_cast %broadcast_in_dim3A_36 : vector<512x1xi32> to vector<512x1xi32>
    %broadcast_in_dim3A_68 = vector.broadcast %broadcast_in_dim3A_67 : vector<512x1xi32> to vector<512x128xi32>
    %select_n3A_69 = arith.select %eq3A_58, %broadcast_in_dim3A_68, %select_n3A_66 : vector<512x128xi1>, vector<512x128xi32>
    %slice3A = vector.extract_strided_slice %select_n3A_69 {offsets = [0, 0], sizes = [512, 2], strides = [1, 1]} : vector<512x128xi32> to vector<512x2xi32>
    %swap3A_70 = arith.constant 0 : index
    %swap3A_71 = arith.constant 0 : index
    %swap3A_72 = vector.load %arg3[%swap3A_70, %swap3A_71] : memref<512x2xi32, #tpu.memory_space<vmem>>, vector<512x2xi32>
    tpu.vector_store %arg3[%swap3A_70, %swap3A_71], %slice3A {strides = array<i32>} : memref<512x2xi32, #tpu.memory_space<vmem>>, vector<512x2xi32>,
    %eq3A_73 = arith.constant 0 : i32
    %eq3A_74 = vector.broadcast %eq3A_73 : i32 to vector<512x128xi32>
    %eq3A_75 = arith.cmpi eq, %iota3A, %eq3A_74 : vector<512x128xi32>
    %eq3A_76 = arith.constant 1 : i32
    %eq3A_77 = vector.broadcast %eq3A_76 : i32 to vector<512x128xi32>
    %eq3A_78 = arith.cmpi eq, %iota3A, %eq3A_77 : vector<512x128xi32>
    %jit3A_79 = arith.constant 0.000000e+00 : f32
    %broadcast_in_dim3A_80 = vector.shape_cast %div3A_55 : vector<512x1xf32> to vector<512x1xf32>
    %broadcast_in_dim3A_81 = vector.broadcast %broadcast_in_dim3A_80 : vector<512x1xf32> to vector<512x128xf32>
    %broadcast_in_dim3A_82 = vector.broadcast %jit3A_79 : f32 to vector<512x128xf32>
    %select_n3A_83 = arith.select %eq3A_78, %broadcast_in_dim3A_81, %broadcast_in_dim3A_82 : vector<512x128xi1>, vector<512x128xf32>
    %broadcast_in_dim3A_84 = vector.shape_cast %div3A_54 : vector<512x1xf32> to vector<512x1xf32>
    %broadcast_in_dim3A_85 = vector.broadcast %broadcast_in_dim3A_84 : vector<512x1xf32> to vector<512x128xf32>
    %select_n3A_86 = arith.select %eq3A_75, %broadcast_in_dim3A_85, %select_n3A_83 : vector<512x128xi1>, vector<512x128xf32>
    %slice3A_87 = vector.extract_strided_slice %select_n3A_86 {offsets = [0, 0], sizes = [512, 2], strides = [1, 1]} : vector<512x128xf32> to vector<512x2xf32>
    %swap3A_88 = arith.constant 0 : index
    %swap3A_89 = arith.constant 0 : index
    %swap3A_90 = vector.load %arg4[%swap3A_88, %swap3A_89] : memref<512x2xf32, #tpu.memory_space<vmem>>, vector<512x2xf32>
    tpu.vector_store %arg4[%swap3A_88, %swap3A_89], %slice3A_87 {strides = array<i32>} : memref<512x2xf32, #tpu.memory_space<vmem>>, vector<512x2xf32>,
    %eq3A_91 = vector.broadcast %broadcast_in_dim3A_36 : vector<512x1xi32> to vector<512x128xi32>
    %eq3A_92 = arith.cmpi eq, %iota3A, %eq3A_91 : vector<512x128xi32>
    %jit3A_93 = arith.constant 1.000000e+00 : f32
    %jit3A_94 = arith.constant 0.000000e+00 : f32
    %broadcast_in_dim3A_95 = vector.broadcast %jit3A_93 : f32 to vector<512x128xf32>
    %broadcast_in_dim3A_96 = vector.broadcast %jit3A_94 : f32 to vector<512x128xf32>
    %select_n3A_97 = arith.select %eq3A_92, %broadcast_in_dim3A_95, %broadcast_in_dim3A_96 : vector<512x128xi1>, vector<512x128xf32>
    %eq3A_98 = vector.broadcast %broadcast_in_dim3A_52 : vector<512x1xi32> to vector<512x128xi32>
    %eq3A_99 = arith.cmpi eq, %iota3A, %eq3A_98 : vector<512x128xi32>
    %jit3A_100 = arith.constant 1.000000e+00 : f32
    %jit3A_101 = arith.constant 0.000000e+00 : f32
    %broadcast_in_dim3A_102 = vector.broadcast %jit3A_100 : f32 to vector<512x128xf32>
    %broadcast_in_dim3A_103 = vector.broadcast %jit3A_101 : f32 to vector<512x128xf32>
    %select_n3A_104 = arith.select %eq3A_99, %broadcast_in_dim3A_102, %broadcast_in_dim3A_103 : vector<512x128xi1>, vector<512x128xf32>
    %add3A_105 = arith.addf %select_n3A_97, %select_n3A_104 : vector<512x128xf32>
    %iota3A_106 = tpu.iota {dimensions = array<i32: 0>} : vector<512x512xi32>
    %iota3A_107 = tpu.iota {dimensions = array<i32: 1>} : vector<512x512xi32>
    %gt3A = arith.cmpi sgt, %iota3A_106, %iota3A_107 : vector<512x512xi32>
    %jit3A_108 = arith.constant 1.000000e+00 : f32
    %jit3A_109 = arith.constant 0.000000e+00 : f32
    %broadcast_in_dim3A_110 = vector.broadcast %jit3A_108 : f32 to vector<512x512xf32>
    %broadcast_in_dim3A_111 = vector.broadcast %jit3A_109 : f32 to vector<512x512xf32>
    %select_n3A_112 = arith.select %gt3A, %broadcast_in_dim3A_110, %broadcast_in_dim3A_111 : vector<512x512xi1>, vector<512x512xf32>
    %dot_general3A_113 = arith.constant dense<0.000000e+00> : vector<512x128xf32>
    %dot_general3A_114 = tpu.matmul %select_n3A_112, %add3A_105, %dot_general3A_113 {dimension_numbers = #tpu.dot_dimension_numbers<[1], [0], [0], [1], [0, 0, 1, 1], [], []>, transpose_lhs_hint = false} : vector<512x512xf32>, vector<512x128xf32>, vector<512x128xf32> -> vector<512x128xf32>
    %get3A_115 = arith.constant 0 : index
    %get3A_116 = arith.constant 0 : index
    %get3A_117 = vector.load %arg9[%get3A_115, %get3A_116] : memref<1x128xf32, #tpu.memory_space<vmem>>, vector<1x128xf32>
    %add3A_118 = vector.broadcast %get3A_117 : vector<1x128xf32> to vector<512x128xf32>
    %add3A_119 = arith.addf %dot_general3A_114, %add3A_118 : vector<512x128xf32>
    %eq3A_120 = vector.broadcast %broadcast_in_dim3A_36 : vector<512x1xi32> to vector<512x128xi32>
    %eq3A_121 = arith.cmpi eq, %iota3A, %eq3A_120 : vector<512x128xi32>
    %jit3A_122 = arith.constant 0.000000e+00 : f32
    %broadcast_in_dim3A_123 = vector.broadcast %jit3A_122 : f32 to vector<512x128xf32>
    %select_n3A_124 = arith.select %eq3A_121, %add3A_119, %broadcast_in_dim3A_123 : vector<512x128xi1>, vector<512x128xf32>
    %reduce_sum3A_125 = arith.constant dense<0.000000e+00> : vector<512xf32>
    %reduce_sum3A_126 = vector.multi_reduction <add>, %select_n3A_124, %reduce_sum3A_125 [1] : vector<512x128xf32> to vector<512xf32>
    %broadcast_in_dim3A_127 = vector.shape_cast %reduce_sum3A_126 : vector<512xf32> to vector<512x1xf32>
    %eq3A_128 = vector.broadcast %broadcast_in_dim3A_52 : vector<512x1xi32> to vector<512x128xi32>
    %eq3A_129 = arith.cmpi eq, %iota3A, %eq3A_128 : vector<512x128xi32>
    %jit3A_130 = arith.constant 0.000000e+00 : f32
    %broadcast_in_dim3A_131 = vector.broadcast %jit3A_130 : f32 to vector<512x128xf32>
    %select_n3A_132 = arith.select %eq3A_129, %add3A_119, %broadcast_in_dim3A_131 : vector<512x128xi1>, vector<512x128xf32>
    %reduce_sum3A_133 = arith.constant dense<0.000000e+00> : vector<512xf32>
    %reduce_sum3A_134 = vector.multi_reduction <add>, %select_n3A_132, %reduce_sum3A_133 [1] : vector<512x128xf32> to vector<512xf32>
    %broadcast_in_dim3A_135 = vector.shape_cast %reduce_sum3A_134 : vector<512xf32> to vector<512x1xf32>
    %eq3A_136 = arith.constant 0 : i32
    %eq3A_137 = vector.broadcast %eq3A_136 : i32 to vector<512x128xi32>
    %eq3A_138 = arith.cmpi eq, %iota3A, %eq3A_137 : vector<512x128xi32>
    %eq3A_139 = arith.constant 1 : i32
    %eq3A_140 = vector.broadcast %eq3A_139 : i32 to vector<512x128xi32>
    %eq3A_141 = arith.cmpi eq, %iota3A, %eq3A_140 : vector<512x128xi32>
    %jit3A_142 = arith.constant 0.000000e+00 : f32
    %broadcast_in_dim3A_143 = vector.shape_cast %broadcast_in_dim3A_135 : vector<512x1xf32> to vector<512x1xf32>
    %broadcast_in_dim3A_144 = vector.broadcast %broadcast_in_dim3A_143 : vector<512x1xf32> to vector<512x128xf32>
    %broadcast_in_dim3A_145 = vector.broadcast %jit3A_142 : f32 to vector<512x128xf32>
    %select_n3A_146 = arith.select %eq3A_141, %broadcast_in_dim3A_144, %broadcast_in_dim3A_145 : vector<512x128xi1>, vector<512x128xf32>
    %broadcast_in_dim3A_147 = vector.shape_cast %broadcast_in_dim3A_127 : vector<512x1xf32> to vector<512x1xf32>
    %broadcast_in_dim3A_148 = vector.broadcast %broadcast_in_dim3A_147 : vector<512x1xf32> to vector<512x128xf32>
    %select_n3A_149 = arith.select %eq3A_138, %broadcast_in_dim3A_148, %select_n3A_146 : vector<512x128xi1>, vector<512x128xf32>
    %slice3A_150 = vector.extract_strided_slice %select_n3A_149 {offsets = [0, 0], sizes = [512, 2], strides = [1, 1]} : vector<512x128xf32> to vector<512x2xf32>
    %convert_element_type3A_151 = arith.fptosi %slice3A_150 : vector<512x2xf32> to vector<512x2xi32>
    %swap3A_152 = arith.constant 0 : index
    %swap3A_153 = arith.constant 0 : index
    %swap3A_154 = vector.load %arg5[%swap3A_152, %swap3A_153] : memref<512x2xi32, #tpu.memory_space<vmem>>, vector<512x2xi32>
    tpu.vector_store %arg5[%swap3A_152, %swap3A_153], %convert_element_type3A_151 {strides = array<i32>} : memref<512x2xi32, #tpu.memory_space<vmem>>, vector<512x2xi32>,
    %get3A_155 = arith.constant 0 : index
    %get3A_156 = arith.constant 0 : index
    %get3A_157 = vector.load %arg9[%get3A_155, %get3A_156] : memref<1x128xf32, #tpu.memory_space<vmem>>, vector<1x128xf32>
    %reduce_sum3A_158 = arith.constant dense<0.000000e+00> : vector<128xf32>
    %reduce_sum3A_159 = vector.multi_reduction <add>, %add3A_105, %reduce_sum3A_158 [0] : vector<512x128xf32> to vector<128xf32>
    %broadcast_in_dim3A_160 = vector.shape_cast %reduce_sum3A_159 : vector<128xf32> to vector<1x128xf32>
    %add3A_161 = arith.addf %get3A_157, %broadcast_in_dim3A_160 : vector<1x128xf32>
    %swap3A_162 = arith.constant 0 : index
    %swap3A_163 = arith.constant 0 : index
    %swap3A_164 = vector.load %arg9[%swap3A_162, %swap3A_163] : memref<1x128xf32, #tpu.memory_space<vmem>>, vector<1x128xf32>
    tpu.vector_store %arg9[%swap3A_162, %swap3A_163], %add3A_161 {strides = array<i32>} : memref<1x128xf32, #tpu.memory_space<vmem>>, vector<1x128xf32>,
    %eq3A_165 = arith.constant 3 : i32
    %eq3A_166 = arith.cmpi eq, %arg0, %eq3A_165 : i32
    %convert_element_type3A_167 = arith.extui %eq3A_166 : i1 to i32
    %cond3A_168 = arith.constant 0 : i32
    %cond3A_169 = arith.cmpi ne, %convert_element_type3A_167, %cond3A_168 : i32
    scf.if %cond3A_169 {
      %get3A_170 = arith.constant 0 : index
      %get3A_171 = arith.constant 0 : index
      %get3A_172 = memref.load %arg8[%get3A_170, %get3A_171] : memref<1x1xf32, #tpu.memory_space<smem>>
      %mul3A_173 = arith.constant 4.88281273E-7 : f32
      %mul3A_174 = arith.mulf %get3A_172, %mul3A_173 : f32
      %swap3A_175 = arith.constant 0 : index
      %swap3A_176 = arith.constant 0 : index
      %swap3A_177 = memref.load %arg7[%swap3A_175, %swap3A_176] : memref<1x1xf32, #tpu.memory_space<smem>>
      memref.store %mul3A_174, %arg7[%swap3A_175, %swap3A_176] : memref<1x1xf32, #tpu.memory_space<smem>>
      %get3A_178 = arith.constant 0 : index
      %get3A_179 = arith.constant 0 : index
      %get3A_180 = vector.load %arg9[%get3A_178, %get3A_179] : memref<1x128xf32, #tpu.memory_space<vmem>>, vector<1x128xf32>
      %swap3A_181 = arith.constant 0 : index
      %swap3A_182 = arith.constant 0 : index
      %swap3A_183 = vector.load %arg6[%swap3A_181, %swap3A_182] : memref<1x128xf32, #tpu.memory_space<vmem>>, vector<1x128xf32>
      tpu.vector_store %arg6[%swap3A_181, %swap3A_182], %get3A_180 {strides = array<i32>} : memref<1x128xf32, #tpu.memory_space<vmem>>, vector<1x128xf32>,
    } else {
    }
    return
  }
  func.func @transform_0(%arg0: i32) -> (i32, i32) {
    %c0_i32 = arith.constant 0 : i32
    %c0_i32_0 = arith.constant 0 : i32
    return %arg0, %c0_i32 : i32, i32
  }
  func.func @transform_1(%arg0: i32) -> (i32, i32) {
    %c0_i32 = arith.constant 0 : i32
    %c0_i32_0 = arith.constant 0 : i32
    %c0_i32_1 = arith.constant 0 : i32
    return %c0_i32, %c0_i32_0 : i32, i32
  }
  func.func @transform_2(%arg0: i32) -> (i32, i32) {
    %c0_i32 = arith.constant 0 : i32
    %c0_i32_0 = arith.constant 0 : i32
    return %arg0, %c0_i32 : i32, i32
  }
  func.func @transform_3(%arg0: i32) -> (i32, i32) {
    %c0_i32 = arith.constant 0 : i32
    %c0_i32_0 = arith.constant 0 : i32
    return %arg0, %c0_i32 : i32, i32
  }
  func.func @transform_4(%arg0: i32) -> (i32, i32) {
    %c0_i32 = arith.constant 0 : i32
    %c0_i32_0 = arith.constant 0 : i32
    return %arg0, %c0_i32 : i32, i32
  }
  func.func @transform_5(%arg0: i32) -> (i32, i32) {
    %c0_i32 = arith.constant 0 : i32
    %c0_i32_0 = arith.constant 0 : i32
    %c0_i32_1 = arith.constant 0 : i32
    return %c0_i32, %c0_i32_0 : i32, i32
  }
  func.func @transform_6(%arg0: i32) -> (i32, i32) {
    %c0_i32 = arith.constant 0 : i32
    %c0_i32_0 = arith.constant 0 : i32
    %c0_i32_1 = arith.constant 0 : i32
    return %c0_i32, %c0_i32_0 : i32, i32
  }
}

module attributes {stable_mosaic.version = 14 : i64} {
  func.func @_gmm_body(%arg0: i32, %arg1: memref<97xi32, #tpu.memory_space<smem>>, %arg2: memref<256x768xf32, #tpu.memory_space<vmem>>, %arg3: memref<8x768x2048xf32, #tpu.memory_space<any>>, %arg4: memref<8x768x2048xf32, #tpu.memory_space<any>>, %arg5: memref<8x2048x768xf32, #tpu.memory_space<any>>, %arg6: memref<256x768xf32, #tpu.memory_space<vmem>>, %arg7: memref<2x768x2048xf32, #tpu.memory_space<vmem>>, %arg8: memref<2x768x2048xf32, #tpu.memory_space<vmem>>, %arg9: memref<2x2048x768xf32, #tpu.memory_space<vmem>>, %arg10: memref<2x3x!tpu.dma_semaphore, #tpu.memory_space<semaphore_mem>>) attributes {dimension_semantics = [#tpu.dimension_semantics<arbitrary>], iteration_bounds = array<i64: 24>, scalar_prefetch = 1 : i64, scratch_operands = 4 : i64, tpu.core_type = #tpu.core_type<tc>, window_params = [{transform_indices = @transform_0, window_bounds = array<i64: 256, 768>}, {}, {}, {}, {transform_indices = @transform_4, window_bounds = array<i64: 256, 768>}]} {
    %get3A = arith.index_cast %arg0 : i32 to index
    %get3A_0 = memref.load %arg1[%get3A] : memref<97xi32, #tpu.memory_space<smem>>
    %add3A = arith.constant 24 : i32
    %add3A_1 = arith.addi %add3A, %arg0 : i32
    %get3A_2 = arith.index_cast %add3A_1 : i32 to index
    %get3A_3 = memref.load %arg1[%get3A_2] : memref<97xi32, #tpu.memory_space<smem>>
    %add3A_4 = arith.constant 48 : i32
    %add3A_5 = arith.addi %add3A_4, %arg0 : i32
    %get3A_6 = arith.index_cast %add3A_5 : i32 to index
    %get3A_7 = memref.load %arg1[%get3A_6] : memref<97xi32, #tpu.memory_space<smem>>
    %add3A_8 = arith.constant 72 : i32
    %add3A_9 = arith.addi %add3A_8, %arg0 : i32
    %get3A_10 = arith.index_cast %add3A_9 : i32 to index
    %get3A_11 = memref.load %arg1[%get3A_10] : memref<97xi32, #tpu.memory_space<smem>>
    %get3A_12 = arith.constant 96 : index
    %get3A_13 = memref.load %arg1[%get3A_12] : memref<97xi32, #tpu.memory_space<smem>>
    %eq3A = arith.constant 0 : i32
    %eq3A_14 = arith.cmpi eq, %arg0, %eq3A : i32
    %convert_element_type3A = arith.extui %eq3A_14 : i1 to i32
    %cond3A = arith.constant 0 : i32
    %cond3A_15 = arith.cmpi ne, %convert_element_type3A, %cond3A : i32
    scf.if %cond3A_15 {
      %dma_start3A = arith.constant 0 : i32
      %dma_start3A_25 = arith.constant 0 : i32
      %dma_start3A_26 = arith.constant 0 : i32
      %dma_start3A_27 = tpu.memref_slice %arg10[%dma_start3A_25, %dma_start3A_26] : memref<2x3x!tpu.dma_semaphore, #tpu.memory_space<semaphore_mem>> -> memref<1x1x!tpu.dma_semaphore, #tpu.memory_space<semaphore_mem>>
      %dma_start3A_28 = tpu.memref_squeeze %dma_start3A_27 : memref<1x1x!tpu.dma_semaphore, #tpu.memory_space<semaphore_mem>> -> memref<!tpu.dma_semaphore, #tpu.memory_space<semaphore_mem>>
      %dma_start3A_29 = arith.constant 0 : i32
      %dma_start3A_30 = arith.constant 0 : i32
      %dma_start3A_31 = tpu.memref_slice %arg7[%dma_start3A, %dma_start3A_29, %dma_start3A_30] : memref<2x768x2048xf32, #tpu.memory_space<vmem>> -> memref<1x768x2048xf32, #tpu.memory_space<vmem>>
      %dma_start3A_32 = tpu.memref_squeeze %dma_start3A_31 : memref<1x768x2048xf32, #tpu.memory_space<vmem>> -> memref<768x2048xf32, #tpu.memory_space<vmem>>
      %dma_start3A_33 = arith.constant 0 : i32
      %dma_start3A_34 = arith.constant 0 : i32
      %dma_start3A_35 = tpu.memref_slice %arg3[%get3A_0, %dma_start3A_33, %dma_start3A_34] : memref<8x768x2048xf32, #tpu.memory_space<any>> -> memref<1x768x2048xf32, #tpu.memory_space<any>>
      %dma_start3A_36 = tpu.memref_squeeze %dma_start3A_35 : memref<1x768x2048xf32, #tpu.memory_space<any>> -> memref<768x2048xf32, #tpu.memory_space<any>>
      tpu.enqueue_dma source(%dma_start3A_36 : memref<768x2048xf32, #tpu.memory_space<any>>) target(%dma_start3A_32 : memref<768x2048xf32, #tpu.memory_space<vmem>>) target_semaphore(%dma_start3A_28 : memref<!tpu.dma_semaphore, #tpu.memory_space<semaphore_mem>>)
      %dma_start3A_37 = arith.constant 0 : i32
      %dma_start3A_38 = arith.constant 0 : i32
      %dma_start3A_39 = arith.constant 1 : i32
      %dma_start3A_40 = tpu.memref_slice %arg10[%dma_start3A_38, %dma_start3A_39] : memref<2x3x!tpu.dma_semaphore, #tpu.memory_space<semaphore_mem>> -> memref<1x1x!tpu.dma_semaphore, #tpu.memory_space<semaphore_mem>>
      %dma_start3A_41 = tpu.memref_squeeze %dma_start3A_40 : memref<1x1x!tpu.dma_semaphore, #tpu.memory_space<semaphore_mem>> -> memref<!tpu.dma_semaphore, #tpu.memory_space<semaphore_mem>>
      %dma_start3A_42 = arith.constant 0 : i32
      %dma_start3A_43 = arith.constant 0 : i32
      %dma_start3A_44 = tpu.memref_slice %arg8[%dma_start3A_37, %dma_start3A_42, %dma_start3A_43] : memref<2x768x2048xf32, #tpu.memory_space<vmem>> -> memref<1x768x2048xf32, #tpu.memory_space<vmem>>
      %dma_start3A_45 = tpu.memref_squeeze %dma_start3A_44 : memref<1x768x2048xf32, #tpu.memory_space<vmem>> -> memref<768x2048xf32, #tpu.memory_space<vmem>>
      %dma_start3A_46 = arith.constant 0 : i32
      %dma_start3A_47 = arith.constant 0 : i32
      %dma_start3A_48 = tpu.memref_slice %arg4[%get3A_0, %dma_start3A_46, %dma_start3A_47] : memref<8x768x2048xf32, #tpu.memory_space<any>> -> memref<1x768x2048xf32, #tpu.memory_space<any>>
      %dma_start3A_49 = tpu.memref_squeeze %dma_start3A_48 : memref<1x768x2048xf32, #tpu.memory_space<any>> -> memref<768x2048xf32, #tpu.memory_space<any>>
      tpu.enqueue_dma source(%dma_start3A_49 : memref<768x2048xf32, #tpu.memory_space<any>>) target(%dma_start3A_45 : memref<768x2048xf32, #tpu.memory_space<vmem>>) target_semaphore(%dma_start3A_41 : memref<!tpu.dma_semaphore, #tpu.memory_space<semaphore_mem>>)
      %dma_start3A_50 = arith.constant 0 : i32
      %dma_start3A_51 = arith.constant 0 : i32
      %dma_start3A_52 = arith.constant 2 : i32
      %dma_start3A_53 = tpu.memref_slice %arg10[%dma_start3A_51, %dma_start3A_52] : memref<2x3x!tpu.dma_semaphore, #tpu.memory_space<semaphore_mem>> -> memref<1x1x!tpu.dma_semaphore, #tpu.memory_space<semaphore_mem>>
      %dma_start3A_54 = tpu.memref_squeeze %dma_start3A_53 : memref<1x1x!tpu.dma_semaphore, #tpu.memory_space<semaphore_mem>> -> memref<!tpu.dma_semaphore, #tpu.memory_space<semaphore_mem>>
      %dma_start3A_55 = arith.constant 0 : i32
      %dma_start3A_56 = arith.constant 0 : i32
      %dma_start3A_57 = tpu.memref_slice %arg9[%dma_start3A_50, %dma_start3A_55, %dma_start3A_56] : memref<2x2048x768xf32, #tpu.memory_space<vmem>> -> memref<1x2048x768xf32, #tpu.memory_space<vmem>>
      %dma_start3A_58 = tpu.memref_squeeze %dma_start3A_57 : memref<1x2048x768xf32, #tpu.memory_space<vmem>> -> memref<2048x768xf32, #tpu.memory_space<vmem>>
      %dma_start3A_59 = arith.constant 0 : i32
      %dma_start3A_60 = arith.constant 0 : i32
      %dma_start3A_61 = tpu.memref_slice %arg5[%get3A_0, %dma_start3A_59, %dma_start3A_60] : memref<8x2048x768xf32, #tpu.memory_space<any>> -> memref<1x2048x768xf32, #tpu.memory_space<any>>
      %dma_start3A_62 = tpu.memref_squeeze %dma_start3A_61 : memref<1x2048x768xf32, #tpu.memory_space<any>> -> memref<2048x768xf32, #tpu.memory_space<any>>
      tpu.enqueue_dma source(%dma_start3A_62 : memref<2048x768xf32, #tpu.memory_space<any>>) target(%dma_start3A_58 : memref<2048x768xf32, #tpu.memory_space<vmem>>) target_semaphore(%dma_start3A_54 : memref<!tpu.dma_semaphore, #tpu.memory_space<semaphore_mem>>)
    } else {
    }
    %lt3A = arith.cmpi slt, %arg0, %get3A_13 : i32
    %eq3A_16 = arith.constant 1 : i32
    %eq3A_17 = arith.cmpi eq, %get3A_3, %eq3A_16 : i32
    %and3A = arith.andi %lt3A, %eq3A_17 : i1
    %convert_element_type3A_18 = arith.extui %and3A : i1 to i32
    %cond3A_19 = arith.constant 0 : i32
    %cond3A_20 = arith.cmpi ne, %convert_element_type3A_18, %cond3A_19 : i32
    scf.if %cond3A_20 {
      %dma_wait3A = arith.constant 0 : i32
      %dma_wait3A_25 = tpu.memref_slice %arg10[%get3A_11, %dma_wait3A] : memref<2x3x!tpu.dma_semaphore, #tpu.memory_space<semaphore_mem>> -> memref<1x1x!tpu.dma_semaphore, #tpu.memory_space<semaphore_mem>>
      %dma_wait3A_26 = tpu.memref_squeeze %dma_wait3A_25 : memref<1x1x!tpu.dma_semaphore, #tpu.memory_space<semaphore_mem>> -> memref<!tpu.dma_semaphore, #tpu.memory_space<semaphore_mem>>
      %dma_wait3A_27 = arith.constant 0 : i32
      %dma_wait3A_28 = arith.constant 0 : i32
      %dma_wait3A_29 = tpu.memref_slice %arg7[%get3A_11, %dma_wait3A_27, %dma_wait3A_28] : memref<2x768x2048xf32, #tpu.memory_space<vmem>> -> memref<1x768x2048xf32, #tpu.memory_space<vmem>>
      %dma_wait3A_30 = tpu.memref_squeeze %dma_wait3A_29 : memref<1x768x2048xf32, #tpu.memory_space<vmem>> -> memref<768x2048xf32, #tpu.memory_space<vmem>>
      %dma_wait3A_31 = arith.constant 0 : i32
      %dma_wait3A_32 = arith.constant 0 : i32
      %dma_wait3A_33 = tpu.memref_slice %arg3[%get3A_0, %dma_wait3A_31, %dma_wait3A_32] : memref<8x768x2048xf32, #tpu.memory_space<any>> -> memref<1x768x2048xf32, #tpu.memory_space<any>>
      %dma_wait3A_34 = tpu.memref_squeeze %dma_wait3A_33 : memref<1x768x2048xf32, #tpu.memory_space<any>> -> memref<768x2048xf32, #tpu.memory_space<any>>
      tpu.wait_dma2 semaphore(%dma_wait3A_26 : memref<!tpu.dma_semaphore, #tpu.memory_space<semaphore_mem>>) src(%dma_wait3A_34 : memref<768x2048xf32, #tpu.memory_space<any>>) dst(%dma_wait3A_30 : memref<768x2048xf32, #tpu.memory_space<vmem>>)
      %dma_wait3A_35 = arith.constant 1 : i32
      %dma_wait3A_36 = tpu.memref_slice %arg10[%get3A_11, %dma_wait3A_35] : memref<2x3x!tpu.dma_semaphore, #tpu.memory_space<semaphore_mem>> -> memref<1x1x!tpu.dma_semaphore, #tpu.memory_space<semaphore_mem>>
      %dma_wait3A_37 = tpu.memref_squeeze %dma_wait3A_36 : memref<1x1x!tpu.dma_semaphore, #tpu.memory_space<semaphore_mem>> -> memref<!tpu.dma_semaphore, #tpu.memory_space<semaphore_mem>>
      %dma_wait3A_38 = arith.constant 0 : i32
      %dma_wait3A_39 = arith.constant 0 : i32
      %dma_wait3A_40 = tpu.memref_slice %arg8[%get3A_11, %dma_wait3A_38, %dma_wait3A_39] : memref<2x768x2048xf32, #tpu.memory_space<vmem>> -> memref<1x768x2048xf32, #tpu.memory_space<vmem>>
      %dma_wait3A_41 = tpu.memref_squeeze %dma_wait3A_40 : memref<1x768x2048xf32, #tpu.memory_space<vmem>> -> memref<768x2048xf32, #tpu.memory_space<vmem>>
      %dma_wait3A_42 = arith.constant 0 : i32
      %dma_wait3A_43 = arith.constant 0 : i32
      %dma_wait3A_44 = tpu.memref_slice %arg4[%get3A_0, %dma_wait3A_42, %dma_wait3A_43] : memref<8x768x2048xf32, #tpu.memory_space<any>> -> memref<1x768x2048xf32, #tpu.memory_space<any>>
      %dma_wait3A_45 = tpu.memref_squeeze %dma_wait3A_44 : memref<1x768x2048xf32, #tpu.memory_space<any>> -> memref<768x2048xf32, #tpu.memory_space<any>>
      tpu.wait_dma2 semaphore(%dma_wait3A_37 : memref<!tpu.dma_semaphore, #tpu.memory_space<semaphore_mem>>) src(%dma_wait3A_45 : memref<768x2048xf32, #tpu.memory_space<any>>) dst(%dma_wait3A_41 : memref<768x2048xf32, #tpu.memory_space<vmem>>)
      %dma_wait3A_46 = arith.constant 2 : i32
      %dma_wait3A_47 = tpu.memref_slice %arg10[%get3A_11, %dma_wait3A_46] : memref<2x3x!tpu.dma_semaphore, #tpu.memory_space<semaphore_mem>> -> memref<1x1x!tpu.dma_semaphore, #tpu.memory_space<semaphore_mem>>
      %dma_wait3A_48 = tpu.memref_squeeze %dma_wait3A_47 : memref<1x1x!tpu.dma_semaphore, #tpu.memory_space<semaphore_mem>> -> memref<!tpu.dma_semaphore, #tpu.memory_space<semaphore_mem>>
      %dma_wait3A_49 = arith.constant 0 : i32
      %dma_wait3A_50 = arith.constant 0 : i32
      %dma_wait3A_51 = tpu.memref_slice %arg9[%get3A_11, %dma_wait3A_49, %dma_wait3A_50] : memref<2x2048x768xf32, #tpu.memory_space<vmem>> -> memref<1x2048x768xf32, #tpu.memory_space<vmem>>
      %dma_wait3A_52 = tpu.memref_squeeze %dma_wait3A_51 : memref<1x2048x768xf32, #tpu.memory_space<vmem>> -> memref<2048x768xf32, #tpu.memory_space<vmem>>
      %dma_wait3A_53 = arith.constant 0 : i32
      %dma_wait3A_54 = arith.constant 0 : i32
      %dma_wait3A_55 = tpu.memref_slice %arg5[%get3A_0, %dma_wait3A_53, %dma_wait3A_54] : memref<8x2048x768xf32, #tpu.memory_space<any>> -> memref<1x2048x768xf32, #tpu.memory_space<any>>
      %dma_wait3A_56 = tpu.memref_squeeze %dma_wait3A_55 : memref<1x2048x768xf32, #tpu.memory_space<any>> -> memref<2048x768xf32, #tpu.memory_space<any>>
      tpu.wait_dma2 semaphore(%dma_wait3A_48 : memref<!tpu.dma_semaphore, #tpu.memory_space<semaphore_mem>>) src(%dma_wait3A_56 : memref<2048x768xf32, #tpu.memory_space<any>>) dst(%dma_wait3A_52 : memref<2048x768xf32, #tpu.memory_space<vmem>>)
      %ge3A = arith.constant 0 : i32
      %ge3A_57 = arith.cmpi sge, %get3A_7, %ge3A : i32
      %convert_element_type3A_58 = arith.extui %ge3A_57 : i1 to i32
      %cond3A_59 = arith.constant 0 : i32
      %cond3A_60 = arith.cmpi ne, %convert_element_type3A_58, %cond3A_59 : i32
      scf.if %cond3A_60 {
        %sub3A = arith.constant 1 : i32
        %sub3A_61 = arith.subi %sub3A, %get3A_11 : i32
        %dma_start3A = arith.constant 0 : i32
        %dma_start3A_62 = tpu.memref_slice %arg10[%sub3A_61, %dma_start3A] : memref<2x3x!tpu.dma_semaphore, #tpu.memory_space<semaphore_mem>> -> memref<1x1x!tpu.dma_semaphore, #tpu.memory_space<semaphore_mem>>
        %dma_start3A_63 = tpu.memref_squeeze %dma_start3A_62 : memref<1x1x!tpu.dma_semaphore, #tpu.memory_space<semaphore_mem>> -> memref<!tpu.dma_semaphore, #tpu.memory_space<semaphore_mem>>
        %dma_start3A_64 = arith.constant 0 : i32
        %dma_start3A_65 = arith.constant 0 : i32
        %dma_start3A_66 = tpu.memref_slice %arg7[%sub3A_61, %dma_start3A_64, %dma_start3A_65] : memref<2x768x2048xf32, #tpu.memory_space<vmem>> -> memref<1x768x2048xf32, #tpu.memory_space<vmem>>
        %dma_start3A_67 = tpu.memref_squeeze %dma_start3A_66 : memref<1x768x2048xf32, #tpu.memory_space<vmem>> -> memref<768x2048xf32, #tpu.memory_space<vmem>>
        %dma_start3A_68 = arith.constant 0 : i32
        %dma_start3A_69 = arith.constant 0 : i32
        %dma_start3A_70 = tpu.memref_slice %arg3[%get3A_7, %dma_start3A_68, %dma_start3A_69] : memref<8x768x2048xf32, #tpu.memory_space<any>> -> memref<1x768x2048xf32, #tpu.memory_space<any>>
        %dma_start3A_71 = tpu.memref_squeeze %dma_start3A_70 : memref<1x768x2048xf32, #tpu.memory_space<any>> -> memref<768x2048xf32, #tpu.memory_space<any>>
        tpu.enqueue_dma source(%dma_start3A_71 : memref<768x2048xf32, #tpu.memory_space<any>>) target(%dma_start3A_67 : memref<768x2048xf32, #tpu.memory_space<vmem>>) target_semaphore(%dma_start3A_63 : memref<!tpu.dma_semaphore, #tpu.memory_space<semaphore_mem>>)
        %dma_start3A_72 = arith.constant 1 : i32
        %dma_start3A_73 = tpu.memref_slice %arg10[%sub3A_61, %dma_start3A_72] : memref<2x3x!tpu.dma_semaphore, #tpu.memory_space<semaphore_mem>> -> memref<1x1x!tpu.dma_semaphore, #tpu.memory_space<semaphore_mem>>
        %dma_start3A_74 = tpu.memref_squeeze %dma_start3A_73 : memref<1x1x!tpu.dma_semaphore, #tpu.memory_space<semaphore_mem>> -> memref<!tpu.dma_semaphore, #tpu.memory_space<semaphore_mem>>
        %dma_start3A_75 = arith.constant 0 : i32
        %dma_start3A_76 = arith.constant 0 : i32
        %dma_start3A_77 = tpu.memref_slice %arg8[%sub3A_61, %dma_start3A_75, %dma_start3A_76] : memref<2x768x2048xf32, #tpu.memory_space<vmem>> -> memref<1x768x2048xf32, #tpu.memory_space<vmem>>
        %dma_start3A_78 = tpu.memref_squeeze %dma_start3A_77 : memref<1x768x2048xf32, #tpu.memory_space<vmem>> -> memref<768x2048xf32, #tpu.memory_space<vmem>>
        %dma_start3A_79 = arith.constant 0 : i32
        %dma_start3A_80 = arith.constant 0 : i32
        %dma_start3A_81 = tpu.memref_slice %arg4[%get3A_7, %dma_start3A_79, %dma_start3A_80] : memref<8x768x2048xf32, #tpu.memory_space<any>> -> memref<1x768x2048xf32, #tpu.memory_space<any>>
        %dma_start3A_82 = tpu.memref_squeeze %dma_start3A_81 : memref<1x768x2048xf32, #tpu.memory_space<any>> -> memref<768x2048xf32, #tpu.memory_space<any>>
        tpu.enqueue_dma source(%dma_start3A_82 : memref<768x2048xf32, #tpu.memory_space<any>>) target(%dma_start3A_78 : memref<768x2048xf32, #tpu.memory_space<vmem>>) target_semaphore(%dma_start3A_74 : memref<!tpu.dma_semaphore, #tpu.memory_space<semaphore_mem>>)
        %dma_start3A_83 = arith.constant 2 : i32
        %dma_start3A_84 = tpu.memref_slice %arg10[%sub3A_61, %dma_start3A_83] : memref<2x3x!tpu.dma_semaphore, #tpu.memory_space<semaphore_mem>> -> memref<1x1x!tpu.dma_semaphore, #tpu.memory_space<semaphore_mem>>
        %dma_start3A_85 = tpu.memref_squeeze %dma_start3A_84 : memref<1x1x!tpu.dma_semaphore, #tpu.memory_space<semaphore_mem>> -> memref<!tpu.dma_semaphore, #tpu.memory_space<semaphore_mem>>
        %dma_start3A_86 = arith.constant 0 : i32
        %dma_start3A_87 = arith.constant 0 : i32
        %dma_start3A_88 = tpu.memref_slice %arg9[%sub3A_61, %dma_start3A_86, %dma_start3A_87] : memref<2x2048x768xf32, #tpu.memory_space<vmem>> -> memref<1x2048x768xf32, #tpu.memory_space<vmem>>
        %dma_start3A_89 = tpu.memref_squeeze %dma_start3A_88 : memref<1x2048x768xf32, #tpu.memory_space<vmem>> -> memref<2048x768xf32, #tpu.memory_space<vmem>>
        %dma_start3A_90 = arith.constant 0 : i32
        %dma_start3A_91 = arith.constant 0 : i32
        %dma_start3A_92 = tpu.memref_slice %arg5[%get3A_7, %dma_start3A_90, %dma_start3A_91] : memref<8x2048x768xf32, #tpu.memory_space<any>> -> memref<1x2048x768xf32, #tpu.memory_space<any>>
        %dma_start3A_93 = tpu.memref_squeeze %dma_start3A_92 : memref<1x2048x768xf32, #tpu.memory_space<any>> -> memref<2048x768xf32, #tpu.memory_space<any>>
        tpu.enqueue_dma source(%dma_start3A_93 : memref<2048x768xf32, #tpu.memory_space<any>>) target(%dma_start3A_89 : memref<2048x768xf32, #tpu.memory_space<vmem>>) target_semaphore(%dma_start3A_85 : memref<!tpu.dma_semaphore, #tpu.memory_space<semaphore_mem>>)
      } else {
      }
    } else {
    }
    %lt3A_21 = arith.cmpi slt, %arg0, %get3A_13 : i32
    %convert_element_type3A_22 = arith.extui %lt3A_21 : i1 to i32
    %cond3A_23 = arith.constant 0 : i32
    %cond3A_24 = arith.cmpi ne, %convert_element_type3A_22, %cond3A_23 : i32
    scf.if %cond3A_24 {
      %get3A_25 = arith.constant 0 : index
      %get3A_26 = arith.constant 0 : index
      %get3A_27 = vector.load %arg2[%get3A_25, %get3A_26] : memref<256x768xf32, #tpu.memory_space<vmem>>, vector<256x768xf32>
      %get3A_28 = arith.index_cast %get3A_11 : i32 to index
      %get3A_29 = arith.constant 0 : index
      %get3A_30 = arith.constant 0 : index
      %get3A_31 = vector.load %arg7[%get3A_28, %get3A_29, %get3A_30] : memref<2x768x2048xf32, #tpu.memory_space<vmem>>, vector<1x768x2048xf32>
      %get3A_32 = vector.shape_cast %get3A_31 : vector<1x768x2048xf32> to vector<768x2048xf32>
      %dot_general3A = arith.constant dense<0.000000e+00> : vector<256x2048xf32>
      %dot_general3A_33 = tpu.matmul %get3A_27, %get3A_32, %dot_general3A {dimension_numbers = #tpu.dot_dimension_numbers<[1], [0], [0], [1], [0, 0, 1, 1], [], []>, transpose_lhs_hint = false} : vector<256x768xf32>, vector<768x2048xf32>, vector<256x2048xf32> -> vector<256x2048xf32>
      %get3A_34 = arith.index_cast %get3A_11 : i32 to index
      %get3A_35 = arith.constant 0 : index
      %get3A_36 = arith.constant 0 : index
      %get3A_37 = vector.load %arg8[%get3A_34, %get3A_35, %get3A_36] : memref<2x768x2048xf32, #tpu.memory_space<vmem>>, vector<1x768x2048xf32>
      %get3A_38 = vector.shape_cast %get3A_37 : vector<1x768x2048xf32> to vector<768x2048xf32>
      %dot_general3A_39 = arith.constant dense<0.000000e+00> : vector<256x2048xf32>
      %dot_general3A_40 = tpu.matmul %get3A_27, %get3A_38, %dot_general3A_39 {dimension_numbers = #tpu.dot_dimension_numbers<[1], [0], [0], [1], [0, 0, 1, 1], [], []>, transpose_lhs_hint = false} : vector<256x768xf32>, vector<768x2048xf32>, vector<256x2048xf32> -> vector<256x2048xf32>
      %logistic3A = arith.negf %dot_general3A_33 : vector<256x2048xf32>
      %logistic3A_41 = math.exp %logistic3A : vector<256x2048xf32>
      %logistic3A_42 = arith.constant 1.000000e+00 : f32
      %logistic3A_43 = vector.broadcast %logistic3A_42 : f32 to vector<256x2048xf32>
      %logistic3A_44 = arith.addf %logistic3A_43, %logistic3A_41 : vector<256x2048xf32>
      %logistic3A_45 = arith.divf %logistic3A_43, %logistic3A_44 : vector<256x2048xf32>
      %mul3A = arith.mulf %dot_general3A_33, %logistic3A_45 : vector<256x2048xf32>
      %mul3A_46 = arith.mulf %mul3A, %dot_general3A_40 : vector<256x2048xf32>
      %get3A_47 = arith.index_cast %get3A_11 : i32 to index
      %get3A_48 = arith.constant 0 : index
      %get3A_49 = arith.constant 0 : index
      %get3A_50 = vector.load %arg9[%get3A_47, %get3A_48, %get3A_49] : memref<2x2048x768xf32, #tpu.memory_space<vmem>>, vector<1x2048x768xf32>
      %get3A_51 = vector.shape_cast %get3A_50 : vector<1x2048x768xf32> to vector<2048x768xf32>
      %dot_general3A_52 = arith.constant dense<0.000000e+00> : vector<256x768xf32>
      %dot_general3A_53 = tpu.matmul %mul3A_46, %get3A_51, %dot_general3A_52 {dimension_numbers = #tpu.dot_dimension_numbers<[1], [0], [0], [1], [0, 0, 1, 1], [], []>, transpose_lhs_hint = false} : vector<256x2048xf32>, vector<2048x768xf32>, vector<256x768xf32> -> vector<256x768xf32>
      %swap3A = arith.constant 0 : index
      %swap3A_54 = arith.constant 0 : index
      %swap3A_55 = vector.load %arg6[%swap3A, %swap3A_54] : memref<256x768xf32, #tpu.memory_space<vmem>>, vector<256x768xf32>
      tpu.vector_store %arg6[%swap3A, %swap3A_54], %dot_general3A_53 {strides = array<i32>} : memref<256x768xf32, #tpu.memory_space<vmem>>, vector<256x768xf32>,
    } else {
    }
    return
  }
  func.func @transform_0(%arg0: i32, %arg1: memref<97xi32, #tpu.memory_space<smem>>) -> (i32, i32) {
    %c0_i32 = arith.constant 0 : i32
    %c0_i32_0 = arith.constant 0 : i32
    return %arg0, %c0_i32 : i32, i32
  }
  func.func @transform_4(%arg0: i32, %arg1: memref<97xi32, #tpu.memory_space<smem>>) -> (i32, i32) {
    %c0_i32 = arith.constant 0 : i32
    %c0_i32_0 = arith.constant 0 : i32
    return %arg0, %c0_i32 : i32, i32
  }
}

module attributes {stable_mosaic.version = 14 : i64} {
  func.func @_wadd_body(%arg0: i32, %arg1: memref<512x768xf32, #tpu.memory_space<vmem>>, %arg2: memref<512x768xf32, #tpu.memory_space<vmem>>, %arg3: memref<512x1xf32, #tpu.memory_space<vmem>>, %arg4: memref<512x1xf32, #tpu.memory_space<vmem>>, %arg5: memref<512x768xf32, #tpu.memory_space<vmem>>) attributes {dimension_semantics = [#tpu.dimension_semantics<arbitrary>], iteration_bounds = array<i64: 4>, scalar_prefetch = 0 : i64, scratch_operands = 0 : i64, tpu.core_type = #tpu.core_type<tc>, window_params = [{transform_indices = @transform_0, window_bounds = array<i64: 512, 768>}, {transform_indices = @transform_1, window_bounds = array<i64: 512, 768>}, {transform_indices = @transform_2, window_bounds = array<i64: 512, 1>}, {transform_indices = @transform_3, window_bounds = array<i64: 512, 1>}, {transform_indices = @transform_4, window_bounds = array<i64: 512, 768>}]} {
    %get3A = arith.constant 0 : index
    %get3A_0 = arith.constant 0 : index
    %get3A_1 = vector.load %arg1[%get3A, %get3A_0] : memref<512x768xf32, #tpu.memory_space<vmem>>, vector<512x768xf32>
    %get3A_2 = arith.constant 0 : index
    %get3A_3 = arith.constant 0 : index
    %get3A_4 = vector.load %arg3[%get3A_2, %get3A_3] : memref<512x1xf32, #tpu.memory_space<vmem>>, vector<512x1xf32>
    %mul3A = vector.broadcast %get3A_4 : vector<512x1xf32> to vector<512x768xf32>
    %mul3A_5 = arith.mulf %get3A_1, %mul3A : vector<512x768xf32>
    %get3A_6 = arith.constant 0 : index
    %get3A_7 = arith.constant 0 : index
    %get3A_8 = vector.load %arg2[%get3A_6, %get3A_7] : memref<512x768xf32, #tpu.memory_space<vmem>>, vector<512x768xf32>
    %get3A_9 = arith.constant 0 : index
    %get3A_10 = arith.constant 0 : index
    %get3A_11 = vector.load %arg4[%get3A_9, %get3A_10] : memref<512x1xf32, #tpu.memory_space<vmem>>, vector<512x1xf32>
    %mul3A_12 = vector.broadcast %get3A_11 : vector<512x1xf32> to vector<512x768xf32>
    %mul3A_13 = arith.mulf %get3A_8, %mul3A_12 : vector<512x768xf32>
    %add3A = arith.addf %mul3A_5, %mul3A_13 : vector<512x768xf32>
    %swap3A = arith.constant 0 : index
    %swap3A_14 = arith.constant 0 : index
    %swap3A_15 = vector.load %arg5[%swap3A, %swap3A_14] : memref<512x768xf32, #tpu.memory_space<vmem>>, vector<512x768xf32>
    tpu.vector_store %arg5[%swap3A, %swap3A_14], %add3A {strides = array<i32>} : memref<512x768xf32, #tpu.memory_space<vmem>>, vector<512x768xf32>,
    return
  }
  func.func @transform_0(%arg0: i32) -> (i32, i32) {
    %c0_i32 = arith.constant 0 : i32
    %c0_i32_0 = arith.constant 0 : i32
    return %arg0, %c0_i32 : i32, i32
  }
  func.func @transform_1(%arg0: i32) -> (i32, i32) {
    %add3A = arith.constant 4 : i32
    %add3A_0 = arith.addi %arg0, %add3A : i32
    %c0_i32 = arith.constant 0 : i32
    %c0_i32_1 = arith.constant 0 : i32
    return %add3A_0, %c0_i32 : i32, i32
  }
  func.func @transform_2(%arg0: i32) -> (i32, i32) {
    %c0_i32 = arith.constant 0 : i32
    %c0_i32_0 = arith.constant 0 : i32
    return %arg0, %c0_i32 : i32, i32
  }
  func.func @transform_3(%arg0: i32) -> (i32, i32) {
    %c0_i32 = arith.constant 0 : i32
    %c0_i32_0 = arith.constant 0 : i32
    return %arg0, %c0_i32 : i32, i32
  }
  func.func @transform_4(%arg0: i32) -> (i32, i32) {
    %c0_i32 = arith.constant 0 : i32
    %c0_i32_0 = arith.constant 0 : i32
    return %arg0, %c0_i32 : i32, i32
  }
}

</mosaic_0001>

<sc_bundles>
// kernel: kernel.10.cloned.1.call-start
scs
__scs_entry_jumppad:
0x0: {  	(pc) =	sbr.rel $0x88, $3  }
0x1: {  	(tag) =	ssettag $0x0;
	lr =	simm.s32 $0x1  }
0x2: {  	[smem:$0x3F9C] =	sst lr;
	_ =	strace $0xD0000000  }
0x3: {  	_ = 	snop  }
0x4: {  	_ = 	snop  }
0x5: {  	_ = 	snop  }
0x6: {  	_ = 	snop  }
0x7: {  	_ = 	snop  }
__scs_overlays_trampoline_lowered:
0x8: {  	[smem:$0x3FAB] =	sst s0  }
0x9: {  	[smem:$0x3FAC] =	sst s1  }
0xa: {  	[smem:$0x3FAD] =	sst s2  }
0xb: {  	[smem:$0x3FAE] =	sst s3  }
0xc: {  	[smem:$0x3FAF] =	sst s4  }
0xd: {  	[smem:$0x3FB0] =	sst s5  }
0xe: {  	[smem:$0x3FB1] =	sst s6  }
0xf: {  	[smem:$0x3FB2] =	sst s7  }
0x10: {  	[smem:$0x3FB3] =	sst s8  }
0x11: {  	[smem:$0x3FB4] =	sst s9;
	s0 =	simm.s32 @!p0 $0x0  }
0x12: {  	s1 =	sld [smem:$0x3F9A];
	s0 =	simm.s32 @p0 $0x1  }
0x13: {  	[smem:$0x3FB5] =	sst s0;
	s0 =	simm.s32 @!p1 $0x0  }
0x14: {  	s2 =	sld [smem:$0x3F99];
	s0 =	simm.s32 @p1 $0x1  }
0x15: {  	[smem:$0x3FB6] =	sst s0;
	s0 =	simm.s32 @!p2 $0x0  }
0x16: {  	s3 =	sld [smem:$0x3FDB];
	s0 =	simm.s32 @p2 $0x1  }
0x17: {  	s4 =	simm.s32 $0x1BF5;
	[smem:$0x3FB8] =	sst s0  }
0x18: {  	s0 =	sld [smem:$0x3F9B];
	_ =	swait.ge [sflag:s4], $0x0  }
0x19: {  	s7 =	sld [smem:$0x3F9C]  }
0x1a: {  	s8 =	sadd.s32 $0xFFFFE003, lr  }
0x1b: {  	s9 =	sadd.s32 $0xFFFFFEF7, lr;
	s5 =	simm.s32 $0xFFFFFFFF;
	p2 =	slt.u32 s8, $0xFFFFF086  }
0x1c: {  	p1 =	slt.u32 s9, $0xF7A;
	s5 =	simm.s32 @!p2 $0x0  }
0x1d: {  	s5 =	simm.s32 @p1 $0x1;
	p0 =	seq.s32 s7, s2  }
0x1e: {  	s7 =	smul.u32 @!p0 $0xF7A, s2;
	p2 =	seq.s32 @!p0 s5, $0x0  }
0x1f: {  	s9 =	smul.u32 $0xF7A, s1;
	s8 =	simm.s32 @!p0 $0x1BF5;
	p2 =	por !p2, p0  }
0x20: {  	[sflag:s8] =	ssyncset.s32 @!p0 $0xFFFFF086;
	s6 =	sadd.s32 @!p0 s3, s7;
	s7 =	simm.s32 @!p0 $0x108  }
0x21: {  	s3 =	sadd.s32 s3, s9;
	s6 =	sadd.s32 @!p0 $0x88, s6;
	s7 =	simm.s32 @p2 $0x1082  }
0x22: {  	[simem:s7], [sflag:s8] =	dma.local @!p0 [hbm:s6], $0xF7A  }
0x23: {  	s9 =	sor.u32 $0xD0000000, s2;
	s6 =	simm.s32 $0x108;
	_ =	swait.ge @!p0 [sflag:s8], $0x0  }
0x24: {  	s3 =	sadd.s32 $0x88, s3;
	s6 =	simm.s32 @!p1 $0x1082;
	[sflag:s4] =	ssyncset.s32 $0xFFFFF086  }
0x25: {  	[simem:s6], [sflag:s4] =	dma.local [hbm:s3], $0xF7A  }
0x26: {  	[smem:$0x3F9C] =	sst s1;
	(tag) =	ssettag s2;
	_ =	strace s9  }
0x27: {  	s1 =	sld [smem:$0x3FAC]  }
0x28: {  	s2 =	sld [smem:$0x3FAD]  }
0x29: {  	s4 =	sld [smem:$0x3FAF]  }
0x2a: {  	p0 =	seq.s32 s5, $0x0;
	s5 =	sld [smem:$0x3FB0]  }
0x2b: {  	s6 =	sld [smem:$0x3FB1]  }
0x2c: {  	s7 =	sld [smem:$0x3FB2]  }
0x2d: {  	s3 =	simm.s32 $0x108;
	s8 =	sld [smem:$0x3FB3]  }
0x2e: {  	s3 =	simm.s32 @!p0 $0x1082;
	s9 =	sld [smem:$0x3FB4]  }
0x2f: {  	lr =	sadd.s32 s0, s3;
	s0 =	sld [smem:$0x3FAB]  }
0x30: {  	s3 =	sld [smem:$0x3FAE]  }
0x31: {  	[smem:$0x3FB7] =	sst s10  }
0x32: {  	s10 =	sld [smem:$0x3FB5];
	_ =	sdelay $0x3  }
0x33: {  	p0 =	seq.s32 s10, $0x1;
	s10 =	sld [smem:$0x3FB7];
	_ =	sdelay $0x3  }
0x34: {  	[smem:$0x3FB7] =	sst s10  }
0x35: {  	s10 =	sld [smem:$0x3FB6];
	_ =	sdelay $0x3  }
0x36: {  	p1 =	seq.s32 s10, $0x1;
	s10 =	sld [smem:$0x3FB7];
	_ =	sdelay $0x3  }
0x37: {  	[smem:$0x3FB7] =	sst s10  }
0x38: {  	s10 =	sld [smem:$0x3FB8]  }
0x39: {  	_ = 	snop;
	(pc) =	sbr.ind lr, $3  }
0x3a: {  	_ = 	snop  }
0x3b: {  	_ = 	snop  }
0x3c: {  	p2 =	seq.s32 s10, $0x1;
	s10 =	sld [smem:$0x3FB7]  }
0x3d: {  	_ =	shalt  }
0x3e: {  	_ =	shalt  }
0x3f: {  	_ =	shalt  }
0x40: {  	_ =	shalt  }
0x41: {  	_ =	shalt  }
0x42: {  	_ =	shalt  }
0x43: {  	_ =	shalt  }
0x44: {  	_ =	shalt  }
0x45: {  	_ =	shalt  }
0x46: {  	_ =	shalt  }
0x47: {  	_ =	shalt  }
0x48: {  	_ =	shalt  }
0x49: {  	_ =	shalt  }
0x4a: {  	_ =	shalt  }
0x4b: {  	_ =	shalt  }
0x4c: {  	_ =	shalt  }
0x4d: {  	_ =	shalt  }
0x4e: {  	_ =	shalt  }
0x4f: {  	_ =	shalt  }
0x50: {  	_ =	shalt  }
0x51: {  	_ =	shalt  }
0x52: {  	_ =	shalt  }
0x53: {  	_ =	shalt  }
0x54: {  	_ =	shalt  }
0x55: {  	_ =	shalt  }
0x56: {  	_ =	shalt  }
0x57: {  	_ =	shalt  }
0x58: {  	_ =	shalt  }
0x59: {  	_ =	shalt  }
0x5a: {  	_ =	shalt  }
0x5b: {  	_ =	shalt  }
0x5c: {  	_ =	shalt  }
0x5d: {  	_ =	shalt  }
0x5e: {  	_ =	shalt  }
0x5f: {  	_ =	shalt  }
0x60: {  	_ =	shalt  }
0x61: {  	_ =	shalt  }
0x62: {  	_ =	shalt  }
0x63: {  	_ =	shalt  }
0x64: {  	_ =	shalt  }
0x65: {  	_ =	shalt  }
0x66: {  	_ =	shalt  }
0x67: {  	_ =	shalt  }
0x68: {  	_ =	shalt  }
0x69: {  	_ =	shalt  }
0x6a: {  	_ =	shalt  }
0x6b: {  	_ =	shalt  }
0x6c: {  	_ =	shalt  }
0x6d: {  	_ =	shalt  }
0x6e: {  	_ =	shalt  }
0x6f: {  	_ =	shalt  }
0x70: {  	_ =	shalt  }
0x71: {  	_ =	shalt  }
0x72: {  	_ =	shalt  }
0x73: {  	_ =	shalt  }
0x74: {  	_ =	shalt  }
0x75: {  	_ =	shalt  }
0x76: {  	_ =	shalt  }
0x77: {  	_ =	shalt  }
0x78: {  	_ =	shalt  }
0x79: {  	_ =	shalt  }
0x7a: {  	_ =	shalt  }
0x7b: {  	_ =	shalt  }
0x7c: {  	_ =	shalt  }
0x7d: {  	_ =	shalt  }
0x7e: {  	_ =	shalt  }
0x7f: {  	_ =	shalt  }
0x80: {  	_ =	shalt  }
0x81: {  	_ =	shalt  }
0x82: {  	_ =	shalt  }
0x83: {  	_ =	shalt  }
0x84: {  	_ =	shalt  }
0x85: {  	_ =	shalt  }
0x86: {  	_ =	shalt  }
0x87: {  	_ =	shalt  }
.Lfunc_end0:
.L_simem_size_0:
called_computation.1_lowered:
.L_overlay_start_0:
0x88: {  	s2 =	sld [smem:$0x3FD9]  }
0x89: {  	s3 =	sld [smem:$0x3FFE];
	_ =	sdelay $0x1  }
0x8a: {  	s1 =	srdreg.scid  }
0x8b: {  	s0 =	sand.u32 $0x1, s1  }
0x8c: {  	s16 =	sshll.u32 s0, $0xA;
	s2 =	sadd.s32 s3, s2  }
0x8d: {  	s2 =	sadd.s32 s2, s16  }
0x8e: {  	[smem:$0x3FC3] =	sst s2  }
0x8f: {  	_ = 	snop  }
0x90: {  	(tm) =	ssettm $0x1  }
0x91: {  	s17 =	sld [smem:$0x3FFB];
	_ =	sdelay $0x3  }
0x92: {  	_ =	strace s17  }
0x93: {  	s2 =	sld [smem:$0x3FFC];
	_ =	sdelay $0x3  }
0x94: {  	_ =	strace s2  }
0x95: {  	s2 =	sld [smem:$0x3FFD];
	_ =	sdelay $0x3  }
0x96: {  	_ =	strace s2  }
0x97: {  	_ =	strace $0x8FFFFFFF  }
0x98: {  	s18 =	sld [smem:$0x3FDB];
	_ =	sdelay $0x1  }
0x99: {  	s19 =	simm.s32 $_scs_section_size  }
0x9a: {  	s4 =	simm.s32 $_size__tile_overlayer_lowered;
	s5 =	simm.s32 $_tile_overlayer_lowered  }
0x9b: {  	s22 =	simm.s32 $0x1BFF;
	s21 =	sshll.u32 s5, $0x1;
	s2 =	sadd.s32 s19, s18  }
0x9c: {  	s6 =	simm.s32 $0x0;
	s20 =	sshll.u32 s4, $0x1;
	s4 =	sadd.s32 s21, s2  }
0x9d: {  	[timem:s6], [sflag:s22] =	dma.local [hbm:s4], s20  }
0x9e: {  	_ =	swait.ge [sflag:s22], s20  }
0x9f: {  	s3 =	ssub.s32 $0x0, s20;
	[sflag:s22] =	ssyncset.done $0x0  }
0xa0: {  	[sflag:s22] =	ssyncadd.s32 s3;
	_ =	sdelay $0x1  }
0xa1: {  	s23 =	simm.s32 $0x1B8B  }
0xa2: {  	_ =	swait.ge [sflag:s23], $0x1  }
0xa3: {  	[sflag:s23] =	ssyncset.done $0x0  }
0xa4: {  	s25 =	simm.s32 $0x1B8E;
	s24 =	sld [smem:$0x3FFE];
	[sflag:s23] =	ssyncadd.s32 $0xFFFFFFFF  }
0xa5: {  	s26 =	simm.s32 $execute0_lowered;
	[smem:$0x3FD2] =	sst s25  }
0xa6: {  	s4 =	sshll.u32 s26, $0x1;
	_ =	strace $0x80000049;
	[dreg:$0x1] =	wrdreg $0xFFFFFFFF  }
0xa7: {  	s28 =	simm.s32 $_size_execute0_lowered;
	s2 =	sadd.s32 s2, s4;
	[dreg:$0x0] =	wrdreg $0x0  }
0xa8: {  	s4 =	sshll.u32 s28, $0x1;
	[dreg:$0x2] =	wrdreg s2  }
0xa9: {  	[dreg:$0x3] =	wrdreg s4  }
0xaa: {  	[dreg:$0x4] =	wrdreg $0xC0  }
0xab: {  	_ =	task [dreg:s6], $0x5FFFF  }
0xac: {  	[dreg:$0x1] =	wrdreg $0xFFFFFFFF  }
0xad: {  	[dreg:$0x0] =	wrdreg $0x60  }
0xae: {  	[dreg:$0x2] =	wrdreg s24  }
0xaf: {  	[dreg:$0x3] =	wrdreg $0x9  }
0xb0: {  	_ =	task.clear_ibuf [dreg:s6], $0x4FFFF;
	_ =	strace $0x90000049  }
0xb1: {  	s29 =	simm.s32 $0x9;
	_ =	strace $0x8000004B  }
0xb2: {  	_ =	swait.ge [sflag:s29], $0x1  }
0xb3: {  	[sflag:s29] =	ssyncadd.s32 $0xFFFFFFFF  }
0xb4: {  	_ =	strace $0x9000004B  }
0xb5: {  	_ =	sfence  }
0xb6: {  	s30 =	sld [smem:$0x0];
	_ =	sdelay $0x2  }
0xb7: {  	s31 =	sshll.u32 s1, $0xD;
	s1 =	sshrl.u32 s1, $0x2  }
0xb8: {  	s3 =	sand.u32 $0x4000, s31;
	s1 =	sadd.s32 s1, s30  }
0xb9: {  	s0 =	sor.u32 s3, s0;
	s1 =	sshll.u32 s1, $0x11  }
0xba: {  	s0 =	sor.u32 s1, s0  }
0xbb: {  	s0 =	sadd.s32 $0x8F2B, s0  }
0xbc: {  	[sflag:s0] =	ssyncadd.remote.s32 $0x1  }
0xbd: {  	_ =	sfence.sel $0xFFFF  }
0xbe: {  	[dreg:$0x0] =	wrdreg $0xFFFFFFFF;
	(pc) =	sbr.abs _section_cstart, $3  }
0xbf: {  	[dreg:$0x1] =	wrdreg $0xFFFFFFFF  }
0xc0: {  	_ =	task.clear_ibuf [dreg:s6], $0x2FFFF;
	_ =	strace $0x9FFFFFFF  }
0xc1: {  	(tm) =	ssettm $0x7FFFFFFF  }
tec
execute0_lowered:
.L_overlay_start_1:
0x0: {  	(tag) =	ssettag $0x1  }
0x1: {  	s0 =	srdreg.scid  }
0x2: {  	s2 =	stileid.u32;
	s1 =	rddreg [dreg:$0x0]  }
0x3: {  	s10 =	simm.s32 $0x3;
	s11 =	simm.s32 $0x2;
	s12 =	simm.s32 $0x4  }
0x4: {  	s21 =	simm.s32 $0x80;
	s14 =	simm.s32 $0x880;
	s15 =	simm.s32 $0x1080  }
0x5: {  	s16 =	simm.s32 $0x1880;
	s17 =	simm.s32 $0x2080;
	s18 =	simm.s32 $0x2880  }
0x6: {  	s19 =	simm.s32 $0x3080;
	s20 =	simm.s32 $0x3880;
	s28 =	simm.s32 $0x7080  }
0x7: {  	s29 =	simm.s32 $0x7880;
	s30 =	simm.s32 $0x8080;
	s31 =	simm.s32 $0x8880  }
0x8: {  	s9 =	simm.s32 $0xA880;
	s0 =	sand.u32 $0x1, s0;
	s3 =	sshll.u32 s2, $0x5  }
0x9: {  	s2 =	simm.s32 $0x0;
	s7 =	sadd.s32 $0x200, s1;
	s4 =	sshll.u32 s0, $0x4  }
0xa: {  	[smem:$0x7FF] =	sst s2;
	s0 =	ssub.s32 $0x2, s0;
	s4 =	sor.u32 s4, s3  }
0xb: {  	_ =	strace $0x8000004A;
	s3 =	sadd.s32 $0x90400, s1;
	s5 =	smul.u32 $0x300, s4  }
0xc: {  	s24 =	sshrl.u32 s0, $0x1;
	s6 =	smul.u32 $0x1800, s4;
	s4 =	sadd.s32 s1, s4  }
0xd: {  	s0 =	ssub.s32 s0, s24;
	s24 =	simm.s32 $0x5080;
	[dreg:$0x2] =	wrdreg s4  }
0xe: {  	s4 =	simm.s32 $0x1;
	s8 =	sadd.s32 s7, s5;
	s22 =	sshrl.u32 s6, $0x3  }
0xf: {  	s6 =	sadd.s32 $0x90600, s1;
	[dreg:$0x6] =	wrdreg s8;
	s23 =	sadd.s32 $0xC00, s8  }
0x10: {  	s5 =	sadd.s32 s7, s22;
	s7 =	smax.u32 s0, $0x1;
	s22 =	simm.s32 $0x4080  }
0x11: {  	v2 =	vlaneseq.u32;
	[dreg:$0x3] =	wrdreg s23;
	s25 =	sadd.s32 $0x1800, s5;
	s26 =	sadd.s32 $0x2400, s5  }
0x12: {  	vm0 =	vmmov $0xffff;
	v1 =	vshrl.u32 v2, $0x3;
	s5 =	sadd.s32 $0x90500, s1;
	s23 =	simm.s32 $0x4880;
	[dreg:$0x4] =	wrdreg s25  }
0x13: {  	v0 =	vand.u32 $0x7, v2;
	v2 =	vor.u32 $0x8, v2;
	v1 =	vmul.u32 $0x8, v1;
	[dreg:$0x5] =	wrdreg s26;
	s25 =	simm.s32 $0x5880;
	s26 =	simm.s32 $0x6880  }
.LBB2_1:
0x14: {  	s13 =	rddreg [dreg:$0x2];
	s0 =	simm.s32 $0x5  }
0x15: {  	[tilespmem:s2], [sflag:$0x5] =	stream.linear.gather [hbm4b:s13+s2], $0x80, $0x38;
	[tilespmem:$0xC080] =	vst v63  }
0x16: {  	_ =	swait.ge [sflag:s0], $0x80  }
0x17: {  	[sflag:s0] =	ssyncset.done $0x0  }
0x18: {  	[sflag:s0] =	ssyncadd.s32 $0xFFFFFF80  }
0x19: {  	v3 =	vld [tilespmem:$0x0];
	_ =	sdelay $0x4  }
0x1a: {  	v4 =	vshrl.u32 v3, $0x3  }
0x1b: {  	v4 =	vmul.u32 $0x30, v4  }
0x1c: {  	v3 =	vand.u32 $0x7, v3  }
0x1d: {  	v3 =	vor.u32 v3, v4  }
0x1e: {  	v4 =	vperm.xlane v3, v0;
	_ =	sdelay $0x1  }
0x1f: {  	v4 =	vadd.s32 v1, v4;
	_ =	sdelay $0x3  }
0x20: {  	v3 =	vperm.xlane v3, v2  }
0x21: {  	[tilespmem:s21], [sflag:$0x1] =	stream.indirect_vreg.gather [hbm4b:s3+s2], $0x80, v4, vm0, $0xb8;
	[tilespmem:$0xC080] =	vst v63  }
0x22: {  	v3 =	vadd.s32 v1, v3  }
0x23: {  	[tilespmem:s14], [sflag:$0x1] =	stream.indirect_vreg.gather [hbm4b:s5+s2], $0x80, v4, vm0, $0xb8;
	[tilespmem:$0xC080] =	vst v63  }
0x24: {  	_ = 	snop  }
0x25: {  	[tilespmem:s15], [sflag:$0x1] =	stream.indirect_vreg.gather [hbm4b:s6+s2], $0x80, v4, vm0, $0xb8;
	[tilespmem:$0xC080] =	vst v63  }
0x26: {  	_ = 	snop  }
0x27: {  	[tilespmem:s16], [sflag:$0x1] =	stream.indirect_vreg.gather [hbm4b:s3+s2], $0x80, v3, vm0, $0xb8;
	[tilespmem:$0xC080] =	vst v63  }
0x28: {  	_ = 	snop  }
0x29: {  	[tilespmem:s17], [sflag:$0x1] =	stream.indirect_vreg.gather [hbm4b:s5+s2], $0x80, v3, vm0, $0xb8;
	[tilespmem:$0xC080] =	vst v63  }
0x2a: {  	_ = 	snop  }
0x2b: {  	[tilespmem:s18], [sflag:$0x1] =	stream.indirect_vreg.gather [hbm4b:s6+s2], $0x80, v3, vm0, $0xb8;
	[tilespmem:$0xC080] =	vst v63  }
0x2c: {  	v3 =	vld [tilespmem:$0x10];
	_ =	sdelay $0x4  }
0x2d: {  	v57 =	vshrl.u32 v3, $0x3  }
0x2e: {  	v4 =	vmul.u32 $0x30, v57  }
0x2f: {  	v3 =	vand.u32 $0x7, v3  }
0x30: {  	v3 =	vor.u32 v3, v4  }
0x31: {  	v4 =	vperm.xlane v3, v0;
	_ =	sdelay $0x1  }
0x32: {  	v4 =	vadd.s32 v1, v4;
	_ =	sdelay $0x3  }
0x33: {  	v3 =	vperm.xlane v3, v2  }
0x34: {  	[tilespmem:s19], [sflag:$0x1] =	stream.indirect_vreg.gather [hbm4b:s3+s2], $0x80, v4, vm0, $0xb8;
	[tilespmem:$0xC080] =	vst v63  }
0x35: {  	v3 =	vadd.s32 v1, v3  }
0x36: {  	[tilespmem:s20], [sflag:$0x1] =	stream.indirect_vreg.gather [hbm4b:s5+s2], $0x80, v4, vm0, $0xb8;
	[tilespmem:$0xC080] =	vst v63  }
0x37: {  	_ = 	snop  }
0x38: {  	[tilespmem:s22], [sflag:$0x1] =	stream.indirect_vreg.gather [hbm4b:s6+s2], $0x80, v4, vm0, $0xb8;
	[tilespmem:$0xC080] =	vst v63  }
0x39: {  	_ = 	snop  }
0x3a: {  	[tilespmem:s23], [sflag:$0x1] =	stream.indirect_vreg.gather [hbm4b:s3+s2], $0x80, v3, vm0, $0xb8;
	[tilespmem:$0xC080] =	vst v63  }
0x3b: {  	_ = 	snop  }
0x3c: {  	[tilespmem:s24], [sflag:$0x1] =	stream.indirect_vreg.gather [hbm4b:s5+s2], $0x80, v3, vm0, $0xb8;
	[tilespmem:$0xC080] =	vst v63  }
0x3d: {  	_ = 	snop  }
0x3e: {  	[tilespmem:s25], [sflag:$0x1] =	stream.indirect_vreg.gather [hbm4b:s6+s2], $0x80, v3, vm0, $0xb8;
	[tilespmem:$0xC080] =	vst v63  }
0x3f: {  	v3 =	vld [tilespmem:$0x20];
	_ =	sdelay $0x4  }
0x40: {  	v58 =	vshrl.u32 v3, $0x3  }
0x41: {  	v4 =	vmul.u32 $0x30, v58  }
0x42: {  	v3 =	vand.u32 $0x7, v3  }
0x43: {  	v3 =	vor.u32 v3, v4  }
0x44: {  	v4 =	vperm.xlane v3, v0;
	_ =	sdelay $0x1  }
0x45: {  	v4 =	vadd.s32 v1, v4;
	_ =	sdelay $0x3  }
0x46: {  	s0 =	simm.s32 $0x6080;
	v3 =	vperm.xlane v3, v2  }
0x47: {  	[tilespmem:s0], [sflag:$0x2] =	stream.indirect_vreg.gather [hbm4b:s3+s2], $0x80, v4, vm0, $0xb8;
	[tilespmem:$0xC080] =	vst v63  }
0x48: {  	v3 =	vadd.s32 v1, v3  }
0x49: {  	[tilespmem:s26], [sflag:$0x2] =	stream.indirect_vreg.gather [hbm4b:s5+s2], $0x80, v4, vm0, $0xb8;
	[tilespmem:$0xC080] =	vst v63  }
0x4a: {  	_ = 	snop  }
0x4b: {  	[tilespmem:s28], [sflag:$0x2] =	stream.indirect_vreg.gather [hbm4b:s6+s2], $0x80, v4, vm0, $0xb8;
	[tilespmem:$0xC080] =	vst v63  }
0x4c: {  	_ = 	snop  }
0x4d: {  	[tilespmem:s29], [sflag:$0x2] =	stream.indirect_vreg.gather [hbm4b:s3+s2], $0x80, v3, vm0, $0xb8;
	[tilespmem:$0xC080] =	vst v63  }
0x4e: {  	_ = 	snop  }
0x4f: {  	[tilespmem:s30], [sflag:$0x2] =	stream.indirect_vreg.gather [hbm4b:s5+s2], $0x80, v3, vm0, $0xb8;
	[tilespmem:$0xC080] =	vst v63  }
0x50: {  	_ = 	snop  }
0x51: {  	[tilespmem:s31], [sflag:$0x2] =	stream.indirect_vreg.gather [hbm4b:s6+s2], $0x80, v3, vm0, $0xb8;
	[tilespmem:$0xC080] =	vst v63  }
0x52: {  	v3 =	vld [tilespmem:$0x30];
	_ =	sdelay $0x4  }
0x53: {  	v59 =	vshrl.u32 v3, $0x3  }
0x54: {  	v4 =	vmul.u32 $0x30, v59  }
0x55: {  	v3 =	vand.u32 $0x7, v3  }
0x56: {  	v3 =	vor.u32 v3, v4  }
0x57: {  	v4 =	vperm.xlane v3, v0;
	_ =	sdelay $0x1  }
0x58: {  	v4 =	vadd.s32 v1, v4;
	_ =	sdelay $0x3  }
0x59: {  	s1 =	simm.s32 $0x9080;
	v3 =	vperm.xlane v3, v2  }
0x5a: {  	[tilespmem:s1], [sflag:$0x2] =	stream.indirect_vreg.gather [hbm4b:s3+s2], $0x80, v4, vm0, $0xb8;
	[tilespmem:$0xC080] =	vst v63  }
0x5b: {  	s8 =	simm.s32 $0x9880;
	v3 =	vadd.s32 v1, v3  }
0x5c: {  	[tilespmem:s8], [sflag:$0x2] =	stream.indirect_vreg.gather [hbm4b:s5+s2], $0x80, v4, vm0, $0xb8;
	[tilespmem:$0xC080] =	vst v63  }
0x5d: {  	s8 =	simm.s32 $0xA080  }
0x5e: {  	[tilespmem:s8], [sflag:$0x2] =	stream.indirect_vreg.gather [hbm4b:s6+s2], $0x80, v4, vm0, $0xb8;
	[tilespmem:$0xC080] =	vst v63  }
0x5f: {  	_ = 	snop  }
0x60: {  	[tilespmem:s9], [sflag:$0x2] =	stream.indirect_vreg.gather [hbm4b:s3+s2], $0x80, v3, vm0, $0xb8;
	[tilespmem:$0xC080] =	vst v63  }
0x61: {  	s13 =	simm.s32 $0xB080  }
0x62: {  	[tilespmem:s13], [sflag:$0x2] =	stream.indirect_vreg.gather [hbm4b:s5+s2], $0x80, v3, vm0, $0xb8;
	[tilespmem:$0xC080] =	vst v63  }
0x63: {  	s13 =	simm.s32 $0xB880  }
0x64: {  	[tilespmem:s13], [sflag:$0x2] =	stream.indirect_vreg.gather [hbm4b:s6+s2], $0x80, v3, vm0, $0xb8;
	[tilespmem:$0xC080] =	vst v63  }
0x65: {  	_ =	swait.ge [sflag:s4], $0x6000  }
0x66: {  	[sflag:s4] =	ssyncset.done $0x0  }
0x67: {  	s13 =	rddreg [dreg:$0x6];
	[sflag:s4] =	ssyncadd.s32 $0xFFFFA000  }
0x68: {  	[hbm4b:s13+s2] =	stream.linear.scatter [tilespmem:s21], [sflag:$0x3], $0x6000, $0x38;
	[tilespmem:$0xC080] =	vst v63  }
0x69: {  	_ =	swait.ge [sflag:s10], $0x6000  }
0x6a: {  	[sflag:s10] =	ssyncset.done $0x0  }
0x6b: {  	[sflag:s10] =	ssyncadd.s32 $0xFFFFA000  }
0x6c: {  	v3 =	vld [tilespmem:$0x40];
	_ =	sdelay $0x4  }
0x6d: {  	v60 =	vshrl.u32 v3, $0x3  }
0x6e: {  	v4 =	vmul.u32 $0x30, v60  }
0x6f: {  	v3 =	vand.u32 $0x7, v3  }
0x70: {  	v3 =	vor.u32 v3, v4  }
0x71: {  	v4 =	vperm.xlane v3, v0;
	_ =	sdelay $0x1  }
0x72: {  	v4 =	vadd.s32 v1, v4;
	_ =	sdelay $0x3  }
0x73: {  	v3 =	vperm.xlane v3, v2  }
0x74: {  	[tilespmem:s21], [sflag:$0x1] =	stream.indirect_vreg.gather [hbm4b:s3+s2], $0x80, v4, vm0, $0xb8;
	[tilespmem:$0xC080] =	vst v63  }
0x75: {  	v3 =	vadd.s32 v1, v3  }
0x76: {  	[tilespmem:s14], [sflag:$0x1] =	stream.indirect_vreg.gather [hbm4b:s5+s2], $0x80, v4, vm0, $0xb8;
	[tilespmem:$0xC080] =	vst v63  }
0x77: {  	_ = 	snop  }
0x78: {  	[tilespmem:s15], [sflag:$0x1] =	stream.indirect_vreg.gather [hbm4b:s6+s2], $0x80, v4, vm0, $0xb8;
	[tilespmem:$0xC080] =	vst v63  }
0x79: {  	_ = 	snop  }
0x7a: {  	[tilespmem:s16], [sflag:$0x1] =	stream.indirect_vreg.gather [hbm4b:s3+s2], $0x80, v3, vm0, $0xb8;
	[tilespmem:$0xC080] =	vst v63  }
0x7b: {  	_ = 	snop  }
0x7c: {  	[tilespmem:s17], [sflag:$0x1] =	stream.indirect_vreg.gather [hbm4b:s5+s2], $0x80, v3, vm0, $0xb8;
	[tilespmem:$0xC080] =	vst v63  }
0x7d: {  	_ = 	snop  }
0x7e: {  	[tilespmem:s18], [sflag:$0x1] =	stream.indirect_vreg.gather [hbm4b:s6+s2], $0x80, v3, vm0, $0xb8;
	[tilespmem:$0xC080] =	vst v63  }
0x7f: {  	v3 =	vld [tilespmem:$0x50];
	_ =	sdelay $0x4  }
0x80: {  	v61 =	vshrl.u32 v3, $0x3  }
0x81: {  	v4 =	vmul.u32 $0x30, v61  }
0x82: {  	v3 =	vand.u32 $0x7, v3  }
0x83: {  	v3 =	vor.u32 v3, v4  }
0x84: {  	v4 =	vperm.xlane v3, v0;
	_ =	sdelay $0x1  }
0x85: {  	v4 =	vadd.s32 v1, v4;
	_ =	sdelay $0x3  }
0x86: {  	v3 =	vperm.xlane v3, v2  }
0x87: {  	[tilespmem:s19], [sflag:$0x1] =	stream.indirect_vreg.gather [hbm4b:s3+s2], $0x80, v4, vm0, $0xb8;
	[tilespmem:$0xC080] =	vst v63  }
0x88: {  	v3 =	vadd.s32 v1, v3  }
0x89: {  	[tilespmem:s20], [sflag:$0x1] =	stream.indirect_vreg.gather [hbm4b:s5+s2], $0x80, v4, vm0, $0xb8;
	[tilespmem:$0xC080] =	vst v63  }
0x8a: {  	_ = 	snop  }
0x8b: {  	[tilespmem:s22], [sflag:$0x1] =	stream.indirect_vreg.gather [hbm4b:s6+s2], $0x80, v4, vm0, $0xb8;
	[tilespmem:$0xC080] =	vst v63  }
0x8c: {  	_ = 	snop  }
0x8d: {  	[tilespmem:s23], [sflag:$0x1] =	stream.indirect_vreg.gather [hbm4b:s3+s2], $0x80, v3, vm0, $0xb8;
	[tilespmem:$0xC080] =	vst v63  }
0x8e: {  	_ = 	snop  }
0x8f: {  	[tilespmem:s24], [sflag:$0x1] =	stream.indirect_vreg.gather [hbm4b:s5+s2], $0x80, v3, vm0, $0xb8;
	[tilespmem:$0xC080] =	vst v63  }
0x90: {  	_ = 	snop  }
0x91: {  	[tilespmem:s25], [sflag:$0x1] =	stream.indirect_vreg.gather [hbm4b:s6+s2], $0x80, v3, vm0, $0xb8;
	[tilespmem:$0xC080] =	vst v63  }
0x92: {  	_ =	swait.ge [sflag:s11], $0x6000  }
0x93: {  	[sflag:s11] =	ssyncset.done $0x0  }
0x94: {  	s13 =	rddreg [dreg:$0x3];
	[sflag:s11] =	ssyncadd.s32 $0xFFFFA000  }
0x95: {  	[hbm4b:s13+s2] =	stream.linear.scatter [tilespmem:s0], [sflag:$0x4], $0x6000, $0x38;
	[tilespmem:$0xC080] =	vst v63  }
0x96: {  	_ =	swait.ge [sflag:s12], $0x6000  }
0x97: {  	[sflag:s12] =	ssyncset.done $0x0  }
0x98: {  	[sflag:s12] =	ssyncadd.s32 $0xFFFFA000  }
0x99: {  	v3 =	vld [tilespmem:$0x60];
	_ =	sdelay $0x4  }
0x9a: {  	v62 =	vshrl.u32 v3, $0x3  }
0x9b: {  	v4 =	vmul.u32 $0x30, v62  }
0x9c: {  	v3 =	vand.u32 $0x7, v3  }
0x9d: {  	v3 =	vor.u32 v3, v4  }
0x9e: {  	v4 =	vperm.xlane v3, v0;
	_ =	sdelay $0x1  }
0x9f: {  	v4 =	vadd.s32 v1, v4;
	_ =	sdelay $0x3  }
0xa0: {  	v3 =	vperm.xlane v3, v2  }
0xa1: {  	[tilespmem:s0], [sflag:$0x2] =	stream.indirect_vreg.gather [hbm4b:s3+s2], $0x80, v4, vm0, $0xb8;
	[tilespmem:$0xC080] =	vst v63  }
0xa2: {  	v3 =	vadd.s32 v1, v3  }
0xa3: {  	[tilespmem:s26], [sflag:$0x2] =	stream.indirect_vreg.gather [hbm4b:s5+s2], $0x80, v4, vm0, $0xb8;
	[tilespmem:$0xC080] =	vst v63  }
0xa4: {  	_ = 	snop  }
0xa5: {  	[tilespmem:s28], [sflag:$0x2] =	stream.indirect_vreg.gather [hbm4b:s6+s2], $0x80, v4, vm0, $0xb8;
	[tilespmem:$0xC080] =	vst v63  }
0xa6: {  	_ = 	snop  }
0xa7: {  	[tilespmem:s29], [sflag:$0x2] =	stream.indirect_vreg.gather [hbm4b:s3+s2], $0x80, v3, vm0, $0xb8;
	[tilespmem:$0xC080] =	vst v63  }
0xa8: {  	_ = 	snop  }
0xa9: {  	[tilespmem:s30], [sflag:$0x2] =	stream.indirect_vreg.gather [hbm4b:s5+s2], $0x80, v3, vm0, $0xb8;
	[tilespmem:$0xC080] =	vst v63  }
0xaa: {  	_ = 	snop  }
0xab: {  	[tilespmem:s31], [sflag:$0x2] =	stream.indirect_vreg.gather [hbm4b:s6+s2], $0x80, v3, vm0, $0xb8;
	[tilespmem:$0xC080] =	vst v63  }
0xac: {  	v3 =	vld [tilespmem:$0x70];
	_ =	sdelay $0x4  }
0xad: {  	v63 =	vshrl.u32 v3, $0x3  }
0xae: {  	v4 =	vmul.u32 $0x30, v63  }
0xaf: {  	v3 =	vand.u32 $0x7, v3  }
0xb0: {  	v3 =	vor.u32 v3, v4  }
0xb1: {  	v4 =	vperm.xlane v3, v0;
	_ =	sdelay $0x1  }
0xb2: {  	v4 =	vadd.s32 v1, v4;
	_ =	sdelay $0x3  }
0xb3: {  	v3 =	vperm.xlane v3, v2  }
0xb4: {  	[tilespmem:s1], [sflag:$0x2] =	stream.indirect_vreg.gather [hbm4b:s3+s2], $0x80, v4, vm0, $0xb8;
	[tilespmem:$0xC080] =	vst v63  }
0xb5: {  	s13 =	simm.s32 $0x9880;
	v3 =	vadd.s32 v1, v3  }
0xb6: {  	[tilespmem:s13], [sflag:$0x2] =	stream.indirect_vreg.gather [hbm4b:s5+s2], $0x80, v4, vm0, $0xb8;
	[tilespmem:$0xC080] =	vst v63  }
0xb7: {  	_ = 	snop  }
0xb8: {  	[tilespmem:s8], [sflag:$0x2] =	stream.indirect_vreg.gather [hbm4b:s6+s2], $0x80, v4, vm0, $0xb8;
	[tilespmem:$0xC080] =	vst v63  }
0xb9: {  	_ = 	snop  }
0xba: {  	[tilespmem:s9], [sflag:$0x2] =	stream.indirect_vreg.gather [hbm4b:s3+s2], $0x80, v3, vm0, $0xb8;
	[tilespmem:$0xC080] =	vst v63  }
0xbb: {  	s8 =	simm.s32 $0xB080  }
0xbc: {  	[tilespmem:s8], [sflag:$0x2] =	stream.indirect_vreg.gather [hbm4b:s5+s2], $0x80, v3, vm0, $0xb8;
	[tilespmem:$0xC080] =	vst v63  }
0xbd: {  	s13 =	simm.s32 $0xB880  }
0xbe: {  	[tilespmem:s13], [sflag:$0x2] =	stream.indirect_vreg.gather [hbm4b:s6+s2], $0x80, v3, vm0, $0xb8;
	[tilespmem:$0xC080] =	vst v63  }
0xbf: {  	_ =	swait.ge [sflag:s4], $0x6000  }
0xc0: {  	[sflag:s4] =	ssyncset.done $0x0  }
0xc1: {  	s1 =	rddreg [dreg:$0x4];
	[sflag:s4] =	ssyncadd.s32 $0xFFFFA000  }
0xc2: {  	[hbm4b:s1+s2] =	stream.linear.scatter [tilespmem:s21], [sflag:$0x3], $0x6000, $0x38;
	[tilespmem:$0xC080] =	vst v63  }
0xc3: {  	_ =	swait.ge [sflag:s11], $0x6000  }
0xc4: {  	[sflag:s11] =	ssyncset.done $0x0  }
0xc5: {  	s8 =	rddreg [dreg:$0x5];
	[sflag:s11] =	ssyncadd.s32 $0xFFFFA000  }
0xc6: {  	[hbm4b:s8+s2] =	stream.linear.scatter [tilespmem:s0], [sflag:$0x4], $0x6000, $0x38;
	[tilespmem:$0xC080] =	vst v63  }
0xc7: {  	p0 =	sne.s32 s7, $0x1;
	_ =	swait.ge [sflag:s10], $0x6000  }
.Ltmp0:
0xc8: {  	[sflag:s10] =	ssyncset.done $0x0;
	(pc) =	sbr.rel @p0 .LBB2_1-.Ltmp0, $4  }
0xc9: {  	[sflag:s10] =	ssyncadd.s32 $0xFFFFA000  }
0xca: {  	_ =	swait.ge [sflag:s12], $0x6000  }
0xcb: {  	[sflag:s12] =	ssyncset.done $0x0  }
0xcc: {  	s7 =	sadd.s32 $0xFFFFFFFF, s7;
	[sflag:s12] =	ssyncadd.s32 $0xFFFFA000  }
0xcd: {  	_ =	sfence.sel $0x180000  }
0xce: {  	[bflag:$0x0] =	sbarrier.arrive $0xFFFF  }
0xcf: {  	_ =	strace $0x9000004A  }
0xd0: {  	s0 =	stileid.u32;
	[bflag:$0x2] =	sbarrier.arrive $0xFFFF  }
0xd1: {  	p0 =	sne.s32 s0, $0x0;
	s0 =	rddreg [dreg:$0x1]  }
0xd2: {  	s0 =	sadd.s32 @!p0 $0x100000, s0  }
0xd3: {  	[sflag:s0] =	ssyncadd.tile.s32 @!p0 $0x1;
	_ =	shalt  }
.Lfunc_end2:
_tile_overlayer_lowered:
.L_overlay_start_2:
0xd4: {  	(tag) =	ssettag $0x2  }
0xd5: {  	s0 =	rddreg [dreg:$0x0];
	s2 =	stileid.u32  }
0xd6: {  	s1 =	rddreg [dreg:$0x1];
	p0 =	sne.s32 s2, $0x0  }
0xd7: {  	s3 =	rddreg [dreg:$0x2];
	[bflag:$0x3] =	sbarrier.arrive $0xFFFF;
	s2 =	simm.s32 @!p0 $0x1C05  }
0xd8: {  	[timem:s3], [sflag:s2] =	dma.local @!p0 [hbm:s0], s1  }
0xd9: {  	s0 =	simm.s32 @!p0 $0x5  }
0xda: {  	_ =	swait.ge @!p0 [sflag:s0], s1  }
0xdb: {  	s1 =	ssub.s32 @!p0 $0x0, s1;
	[sflag:s0] =	ssyncset.done @!p0 $0x0  }
0xdc: {  	[sflag:s0] =	ssyncadd.s32 @!p0 s1  }
0xdd: {  	[bflag:$0x3] =	sbarrier.arrive $0xFFFF  }
0xde: {  	_ =	shalt  }

// kernel: kernel.7.cloned.1.call-start
scs
__scs_entry_jumppad:
0x0: {  	(pc) =	sbr.rel $0x88, $3  }
0x1: {  	(tag) =	ssettag $0x0;
	lr =	simm.s32 $0x1  }
0x2: {  	[smem:$0x3F9C] =	sst lr;
	_ =	strace $0xD0000000  }
0x3: {  	_ = 	snop  }
0x4: {  	_ = 	snop  }
0x5: {  	_ = 	snop  }
0x6: {  	_ = 	snop  }
0x7: {  	_ = 	snop  }
__scs_overlays_trampoline_lowered:
0x8: {  	[smem:$0x3FAB] =	sst s0  }
0x9: {  	[smem:$0x3FAC] =	sst s1  }
0xa: {  	[smem:$0x3FAD] =	sst s2  }
0xb: {  	[smem:$0x3FAE] =	sst s3  }
0xc: {  	[smem:$0x3FAF] =	sst s4  }
0xd: {  	[smem:$0x3FB0] =	sst s5  }
0xe: {  	[smem:$0x3FB1] =	sst s6  }
0xf: {  	[smem:$0x3FB2] =	sst s7  }
0x10: {  	[smem:$0x3FB3] =	sst s8  }
0x11: {  	[smem:$0x3FB4] =	sst s9;
	s0 =	simm.s32 @!p0 $0x0  }
0x12: {  	s1 =	sld [smem:$0x3F9A];
	s0 =	simm.s32 @p0 $0x1  }
0x13: {  	[smem:$0x3FB5] =	sst s0;
	s0 =	simm.s32 @!p1 $0x0  }
0x14: {  	s2 =	sld [smem:$0x3F99];
	s0 =	simm.s32 @p1 $0x1  }
0x15: {  	[smem:$0x3FB6] =	sst s0;
	s0 =	simm.s32 @!p2 $0x0  }
0x16: {  	s3 =	sld [smem:$0x3FDB];
	s0 =	simm.s32 @p2 $0x1  }
0x17: {  	s4 =	simm.s32 $0x1BF5;
	[smem:$0x3FB8] =	sst s0  }
0x18: {  	s0 =	sld [smem:$0x3F9B];
	_ =	swait.ge [sflag:s4], $0x0  }
0x19: {  	s7 =	sld [smem:$0x3F9C]  }
0x1a: {  	s8 =	sadd.s32 $0xFFFFE003, lr  }
0x1b: {  	s9 =	sadd.s32 $0xFFFFFEF7, lr;
	s5 =	simm.s32 $0xFFFFFFFF;
	p2 =	slt.u32 s8, $0xFFFFF086  }
0x1c: {  	p1 =	slt.u32 s9, $0xF7A;
	s5 =	simm.s32 @!p2 $0x0  }
0x1d: {  	s5 =	simm.s32 @p1 $0x1;
	p0 =	seq.s32 s7, s2  }
0x1e: {  	s7 =	smul.u32 @!p0 $0xF7A, s2;
	p2 =	seq.s32 @!p0 s5, $0x0  }
0x1f: {  	s9 =	smul.u32 $0xF7A, s1;
	s8 =	simm.s32 @!p0 $0x1BF5;
	p2 =	por !p2, p0  }
0x20: {  	[sflag:s8] =	ssyncset.s32 @!p0 $0xFFFFF086;
	s6 =	sadd.s32 @!p0 s3, s7;
	s7 =	simm.s32 @!p0 $0x108  }
0x21: {  	s3 =	sadd.s32 s3, s9;
	s6 =	sadd.s32 @!p0 $0x88, s6;
	s7 =	simm.s32 @p2 $0x1082  }
0x22: {  	[simem:s7], [sflag:s8] =	dma.local @!p0 [hbm:s6], $0xF7A  }
0x23: {  	s9 =	sor.u32 $0xD0000000, s2;
	s6 =	simm.s32 $0x108;
	_ =	swait.ge @!p0 [sflag:s8], $0x0  }
0x24: {  	s3 =	sadd.s32 $0x88, s3;
	s6 =	simm.s32 @!p1 $0x1082;
	[sflag:s4] =	ssyncset.s32 $0xFFFFF086  }
0x25: {  	[simem:s6], [sflag:s4] =	dma.local [hbm:s3], $0xF7A  }
0x26: {  	[smem:$0x3F9C] =	sst s1;
	(tag) =	ssettag s2;
	_ =	strace s9  }
0x27: {  	s1 =	sld [smem:$0x3FAC]  }
0x28: {  	s2 =	sld [smem:$0x3FAD]  }
0x29: {  	s4 =	sld [smem:$0x3FAF]  }
0x2a: {  	p0 =	seq.s32 s5, $0x0;
	s5 =	sld [smem:$0x3FB0]  }
0x2b: {  	s6 =	sld [smem:$0x3FB1]  }
0x2c: {  	s7 =	sld [smem:$0x3FB2]  }
0x2d: {  	s3 =	simm.s32 $0x108;
	s8 =	sld [smem:$0x3FB3]  }
0x2e: {  	s3 =	simm.s32 @!p0 $0x1082;
	s9 =	sld [smem:$0x3FB4]  }
0x2f: {  	lr =	sadd.s32 s0, s3;
	s0 =	sld [smem:$0x3FAB]  }
0x30: {  	s3 =	sld [smem:$0x3FAE]  }
0x31: {  	[smem:$0x3FB7] =	sst s10  }
0x32: {  	s10 =	sld [smem:$0x3FB5];
	_ =	sdelay $0x3  }
0x33: {  	p0 =	seq.s32 s10, $0x1;
	s10 =	sld [smem:$0x3FB7];
	_ =	sdelay $0x3  }
0x34: {  	[smem:$0x3FB7] =	sst s10  }
0x35: {  	s10 =	sld [smem:$0x3FB6];
	_ =	sdelay $0x3  }
0x36: {  	p1 =	seq.s32 s10, $0x1;
	s10 =	sld [smem:$0x3FB7];
	_ =	sdelay $0x3  }
0x37: {  	[smem:$0x3FB7] =	sst s10  }
0x38: {  	s10 =	sld [smem:$0x3FB8]  }
0x39: {  	_ = 	snop;
	(pc) =	sbr.ind lr, $3  }
0x3a: {  	_ = 	snop  }
0x3b: {  	_ = 	snop  }
0x3c: {  	p2 =	seq.s32 s10, $0x1;
	s10 =	sld [smem:$0x3FB7]  }
0x3d: {  	_ =	shalt  }
0x3e: {  	_ =	shalt  }
0x3f: {  	_ =	shalt  }
0x40: {  	_ =	shalt  }
0x41: {  	_ =	shalt  }
0x42: {  	_ =	shalt  }
0x43: {  	_ =	shalt  }
0x44: {  	_ =	shalt  }
0x45: {  	_ =	shalt  }
0x46: {  	_ =	shalt  }
0x47: {  	_ =	shalt  }
0x48: {  	_ =	shalt  }
0x49: {  	_ =	shalt  }
0x4a: {  	_ =	shalt  }
0x4b: {  	_ =	shalt  }
0x4c: {  	_ =	shalt  }
0x4d: {  	_ =	shalt  }
0x4e: {  	_ =	shalt  }
0x4f: {  	_ =	shalt  }
0x50: {  	_ =	shalt  }
0x51: {  	_ =	shalt  }
0x52: {  	_ =	shalt  }
0x53: {  	_ =	shalt  }
0x54: {  	_ =	shalt  }
0x55: {  	_ =	shalt  }
0x56: {  	_ =	shalt  }
0x57: {  	_ =	shalt  }
0x58: {  	_ =	shalt  }
0x59: {  	_ =	shalt  }
0x5a: {  	_ =	shalt  }
0x5b: {  	_ =	shalt  }
0x5c: {  	_ =	shalt  }
0x5d: {  	_ =	shalt  }
0x5e: {  	_ =	shalt  }
0x5f: {  	_ =	shalt  }
0x60: {  	_ =	shalt  }
0x61: {  	_ =	shalt  }
0x62: {  	_ =	shalt  }
0x63: {  	_ =	shalt  }
0x64: {  	_ =	shalt  }
0x65: {  	_ =	shalt  }
0x66: {  	_ =	shalt  }
0x67: {  	_ =	shalt  }
0x68: {  	_ =	shalt  }
0x69: {  	_ =	shalt  }
0x6a: {  	_ =	shalt  }
0x6b: {  	_ =	shalt  }
0x6c: {  	_ =	shalt  }
0x6d: {  	_ =	shalt  }
0x6e: {  	_ =	shalt  }
0x6f: {  	_ =	shalt  }
0x70: {  	_ =	shalt  }
0x71: {  	_ =	shalt  }
0x72: {  	_ =	shalt  }
0x73: {  	_ =	shalt  }
0x74: {  	_ =	shalt  }
0x75: {  	_ =	shalt  }
0x76: {  	_ =	shalt  }
0x77: {  	_ =	shalt  }
0x78: {  	_ =	shalt  }
0x79: {  	_ =	shalt  }
0x7a: {  	_ =	shalt  }
0x7b: {  	_ =	shalt  }
0x7c: {  	_ =	shalt  }
0x7d: {  	_ =	shalt  }
0x7e: {  	_ =	shalt  }
0x7f: {  	_ =	shalt  }
0x80: {  	_ =	shalt  }
0x81: {  	_ =	shalt  }
0x82: {  	_ =	shalt  }
0x83: {  	_ =	shalt  }
0x84: {  	_ =	shalt  }
0x85: {  	_ =	shalt  }
0x86: {  	_ =	shalt  }
0x87: {  	_ =	shalt  }
.Lfunc_end0:
.L_simem_size_0:
called_computation_lowered:
.L_overlay_start_0:
0x88: {  	s2 =	sld [smem:$0x3FD9]  }
0x89: {  	s3 =	sld [smem:$0x3FFE];
	_ =	sdelay $0x1  }
0x8a: {  	s1 =	srdreg.scid  }
0x8b: {  	s0 =	sand.u32 $0x1, s1  }
0x8c: {  	s17 =	sshll.u32 s0, $0xA;
	s2 =	sadd.s32 s3, s2  }
0x8d: {  	s2 =	sadd.s32 s2, s17  }
0x8e: {  	[smem:$0x3FC3] =	sst s2  }
0x8f: {  	_ = 	snop  }
0x90: {  	s2 =	sld [smem:$0x3FC9];
	(tm) =	ssettm $0x1  }
0x91: {  	s18 =	sld [smem:$0x3FFB];
	_ =	sdelay $0x3  }
0x92: {  	_ =	strace s18  }
0x93: {  	s3 =	sld [smem:$0x3FFC];
	_ =	sdelay $0x3  }
0x94: {  	_ =	strace s3  }
0x95: {  	s3 =	sld [smem:$0x3FFD];
	_ =	sdelay $0x3  }
0x96: {  	_ =	strace s3  }
0x97: {  	_ =	strace $0x8FFFFFFF  }
0x98: {  	s19 =	sld [smem:$0x3FDB];
	_ =	sdelay $0x1  }
0x99: {  	s4 =	simm.s32 $_scs_section_size  }
0x9a: {  	s5 =	simm.s32 $_size__tile_overlayer_lowered;
	s6 =	simm.s32 $_tile_overlayer_lowered  }
0x9b: {  	s22 =	simm.s32 $0x1BFF;
	s21 =	sshll.u32 s6, $0x1;
	s3 =	sadd.s32 s4, s19  }
0x9c: {  	s7 =	simm.s32 $0x0;
	s20 =	sshll.u32 s5, $0x1;
	s5 =	sadd.s32 s21, s3  }
0x9d: {  	[timem:s7], [sflag:s22] =	dma.local [hbm:s5], s20  }
0x9e: {  	_ =	swait.ge [sflag:s22], s20  }
0x9f: {  	s4 =	ssub.s32 $0x0, s20;
	[sflag:s22] =	ssyncset.done $0x0  }
0xa0: {  	[sflag:s22] =	ssyncadd.s32 s4;
	_ =	sdelay $0x1  }
0xa1: {  	s23 =	simm.s32 $0x1B8B  }
0xa2: {  	_ =	swait.ge [sflag:s23], $0x1  }
0xa3: {  	[sflag:s23] =	ssyncset.done $0x0  }
0xa4: {  	s25 =	simm.s32 $0x1B8E;
	s24 =	sld [smem:$0x3FFE];
	[sflag:s23] =	ssyncadd.s32 $0xFFFFFFFF  }
0xa5: {  	s26 =	simm.s32 $execute0_lowered;
	[smem:$0x3FD2] =	sst s25  }
0xa6: {  	s5 =	sshll.u32 s26, $0x1;
	_ =	strace $0x80000046;
	[dreg:$0x1] =	wrdreg $0xFFFFFFFF  }
0xa7: {  	s28 =	simm.s32 $_size_execute0_lowered;
	s3 =	sadd.s32 s3, s5;
	[dreg:$0x0] =	wrdreg $0x0  }
0xa8: {  	s5 =	sshll.u32 s28, $0x1;
	[dreg:$0x2] =	wrdreg s3  }
0xa9: {  	[dreg:$0x3] =	wrdreg s5  }
0xaa: {  	[dreg:$0x4] =	wrdreg $0xC0  }
0xab: {  	_ =	task [dreg:s7], $0x5FFFF  }
0xac: {  	[dreg:$0x1] =	wrdreg $0xFFFFFFFF  }
0xad: {  	[dreg:$0x0] =	wrdreg $0x60  }
0xae: {  	[dreg:$0x2] =	wrdreg s2  }
0xaf: {  	[dreg:$0x3] =	wrdreg s24  }
0xb0: {  	[dreg:$0x4] =	wrdreg $0x9  }
0xb1: {  	_ =	task.clear_ibuf [dreg:s7], $0x5FFFF;
	_ =	strace $0x90000046  }
0xb2: {  	s29 =	simm.s32 $0x9;
	_ =	strace $0x80000048  }
0xb3: {  	_ =	swait.ge [sflag:s29], $0x1  }
0xb4: {  	[sflag:s29] =	ssyncadd.s32 $0xFFFFFFFF  }
0xb5: {  	_ =	strace $0x90000048  }
0xb6: {  	_ =	sfence  }
0xb7: {  	s30 =	sld [smem:$0x0];
	_ =	sdelay $0x2  }
0xb8: {  	s31 =	sshll.u32 s1, $0xD;
	s1 =	sshrl.u32 s1, $0x2  }
0xb9: {  	s3 =	sand.u32 $0x4000, s31;
	s1 =	sadd.s32 s1, s30  }
0xba: {  	s0 =	sor.u32 s3, s0;
	s1 =	sshll.u32 s1, $0x11  }
0xbb: {  	s0 =	sor.u32 s1, s0  }
0xbc: {  	s0 =	sadd.s32 $0x8F2B, s0  }
0xbd: {  	[sflag:s0] =	ssyncadd.remote.s32 $0x1  }
0xbe: {  	_ =	sfence.sel $0xFFFF  }
0xbf: {  	[dreg:$0x0] =	wrdreg $0xFFFFFFFF;
	(pc) =	sbr.abs _section_cstart, $3  }
0xc0: {  	[dreg:$0x1] =	wrdreg $0xFFFFFFFF  }
0xc1: {  	_ =	task.clear_ibuf [dreg:s7], $0x2FFFF;
	_ =	strace $0x9FFFFFFF  }
0xc2: {  	(tm) =	ssettm $0x7FFFFFFF  }
0xc3: {  	_ =	shalt  }
tec
execute0_lowered:
.L_overlay_start_1:
0x0: {  	(tag) =	ssettag $0x1  }
0x1: {  	s1 =	srdreg.scid  }
0x2: {  	s0 =	stileid.u32;
	s1 =	sand.u32 $0x1, s1  }
0x3: {  	s3 =	rddreg [dreg:$0x0];
	s2 =	sshll.u32 s0, $0x5;
	s4 =	sshll.u32 s1, $0x4  }
0x4: {  	s5 =	rddreg [dreg:$0x1];
	s4 =	sor.u32 s4, s2;
	s2 =	simm.s32 $0x0  }
0x5: {  	s6 =	sand.u32 $0xF0, s4;
	[smem:$0x7FF] =	sst s2;
	s4 =	sadd.s32 s5, s4  }
0x6: {  	s25 =	simm.s32 $0x880;
	_ =	strace $0x80000047;
	[dreg:$0x3] =	wrdreg s4  }
0x7: {  	s26 =	simm.s32 $0x1080;
	[dreg:$0x5] =	wrdreg s25  }
0x8: {  	s0 =	simm.s32 $0x1880;
	[dreg:$0x6] =	wrdreg s26  }
0x9: {  	s7 =	simm.s32 $0x3080;
	[dreg:$0x7] =	wrdreg s0  }
0xa: {  	s8 =	simm.s32 $0x3880;
	[dreg:$0xa] =	wrdreg s7  }
0xb: {  	s9 =	simm.s32 $0x4080;
	[dreg:$0xb] =	wrdreg s8  }
0xc: {  	s10 =	simm.s32 $0x4880;
	[dreg:$0xc] =	wrdreg s9  }
0xd: {  	s11 =	simm.s32 $0x5080;
	[dreg:$0xd] =	wrdreg s10  }
0xe: {  	s12 =	simm.s32 $0x5880;
	[dreg:$0xe] =	wrdreg s11  }
0xf: {  	s13 =	simm.s32 $0x6080;
	[dreg:$0xf] =	wrdreg s12  }
0x10: {  	s14 =	simm.s32 $0x6880;
	[dreg:$0x10] =	wrdreg s13  }
0x11: {  	s15 =	simm.s32 $0x7080;
	s16 =	simm.s32 $0x7880;
	[dreg:$0x11] =	wrdreg s14  }
0x12: {  	s17 =	simm.s32 $0x8080;
	s18 =	simm.s32 $0x8880;
	[dreg:$0x12] =	wrdreg s15  }
0x13: {  	s19 =	simm.s32 $0x9080;
	s21 =	simm.s32 $0x9880;
	[dreg:$0x13] =	wrdreg s16  }
0x14: {  	s22 =	simm.s32 $0xA080;
	s23 =	simm.s32 $0xA880;
	[dreg:$0x14] =	wrdreg s17  }
0x15: {  	s24 =	simm.s32 $0xB880;
	s28 =	simm.s32 $0x16080;
	[dreg:$0x15] =	wrdreg s18  }
0x16: {  	s29 =	simm.s32 $0x16880;
	s1 =	ssub.s32 $0x2, s1;
	[dreg:$0x16] =	wrdreg s19  }
0x17: {  	s30 =	simm.s32 $0x17080;
	s20 =	sshrl.u32 s1, $0x1;
	[dreg:$0x17] =	wrdreg s21  }
0x18: {  	s31 =	simm.s32 $0x17880;
	s1 =	ssub.s32 s1, s20;
	[dreg:$0x18] =	wrdreg s22  }
0x19: {  	s20 =	simm.s32 $0x12880;
	s6 =	smul.u32 $0x300, s6;
	[dreg:$0x19] =	wrdreg s23  }
0x1a: {  	s4 =	simm.s32 $0x2080;
	s7 =	simm.s32 $0xB080;
	[dreg:$0x1b] =	wrdreg s24  }
0x1b: {  	s25 =	simm.s32 $0xC080;
	s8 =	simm.s32 $0x80;
	s26 =	simm.s32 $0xC880  }
0x1c: {  	s10 =	simm.s32 $0xD880;
	s11 =	simm.s32 $0xE080;
	s12 =	simm.s32 $0xE880  }
0x1d: {  	s13 =	simm.s32 $0xF080;
	s14 =	simm.s32 $0xF880;
	s15 =	simm.s32 $0x10080  }
0x1e: {  	s16 =	simm.s32 $0x10880;
	s17 =	simm.s32 $0x11080;
	s18 =	simm.s32 $0x11880  }
0x1f: {  	s19 =	simm.s32 $0x12080;
	s21 =	simm.s32 $0x13080;
	[dreg:$0x8] =	wrdreg s4  }
0x20: {  	s22 =	simm.s32 $0x13880;
	s23 =	simm.s32 $0x14080;
	[dreg:$0x1a] =	wrdreg s7  }
0x21: {  	s24 =	simm.s32 $0x14880;
	s4 =	sadd.s32 $0x300, s5;
	[dreg:$0x1c] =	wrdreg s25  }
0x22: {  	s7 =	simm.s32 $0x2;
	[dreg:$0x1d] =	wrdreg s26;
	s3 =	sadd.s32 s3, s6  }
0x23: {  	v2 =	vlaneseq.u32;
	s25 =	simm.s32 $0x15080;
	s6 =	simm.s32 $0x2880;
	[dreg:$0x4] =	wrdreg s3  }
0x24: {  	vm0 =	vmmov $0xffff;
	v1 =	vshrl.u32 v2, $0x3;
	s26 =	simm.s32 $0x15880;
	[dreg:$0x9] =	wrdreg s6;
	s3 =	sadd.s32 $0x200, s5  }
0x25: {  	v0 =	vand.u32 $0x7, v2;
	v2 =	vor.u32 $0x8, v2;
	v1 =	vmul.u32 $0x8, v1;
	s5 =	sadd.s32 $0x400, s5;
	s6 =	smax.u32 s1, $0x1;
	s1 =	simm.s32 $0x1  }
.LBB2_1:
0x26: {  	s0 =	rddreg [dreg:$0x3]  }
0x27: {  	[tilespmem:s2], [sflag:$0x2] =	stream.linear.gather [hbm4b:s0+s2], $0x80, $0x38;
	[tilespmem:$0x18080] =	vst v63  }
0x28: {  	_ =	swait.ge [sflag:s7], $0x80  }
0x29: {  	[sflag:s7] =	ssyncset.done $0x0  }
0x2a: {  	s9 =	rddreg [dreg:$0x4];
	[sflag:s7] =	ssyncadd.s32 $0xFFFFFF80  }
0x2b: {  	[tilespmem:s8], [sflag:$0x2] =	stream.linear.gather [hbm4b:s9+s2], $0x18000, $0x38;
	[tilespmem:$0x18080] =	vst v63  }
0x2c: {  	_ =	swait.ge [sflag:s7], $0x18000  }
0x2d: {  	[sflag:s7] =	ssyncset.done $0x0  }
0x2e: {  	[sflag:s7] =	ssyncadd.s32 $0xFFFE8000  }
0x2f: {  	v3 =	vld [tilespmem:$0x0];
	_ =	sdelay $0x4  }
0x30: {  	v4 =	vshrl.u32 v3, $0x3  }
0x31: {  	v4 =	vmul.u32 $0x30, v4  }
0x32: {  	v3 =	vand.u32 $0x7, v3  }
0x33: {  	v3 =	vor.u32 v3, v4  }
0x34: {  	v4 =	vperm.xlane v3, v0;
	_ =	sdelay $0x1  }
0x35: {  	v4 =	vadd.s32 v1, v4;
	_ =	sdelay $0x3  }
0x36: {  	v3 =	vperm.xlane v3, v2  }
0x37: {  	[hbm4b:s3+s2] =	stream.indirect_vreg.scatter [tilespmem:s8], [sflag:$0x1], $0x80, v4, vm0, $0xb8;
	[tilespmem:$0x18080] =	vst v63  }
0x38: {  	s0 =	rddreg [dreg:$0x5];
	v3 =	vadd.s32 v1, v3  }
0x39: {  	[hbm4b:s4+s2] =	stream.indirect_vreg.scatter [tilespmem:s0], [sflag:$0x1], $0x80, v4, vm0, $0xb8;
	[tilespmem:$0x18080] =	vst v63  }
0x3a: {  	s9 =	rddreg [dreg:$0x6]  }
0x3b: {  	[hbm4b:s5+s2] =	stream.indirect_vreg.scatter [tilespmem:s9], [sflag:$0x1], $0x80, v4, vm0, $0xb8;
	[tilespmem:$0x18080] =	vst v63  }
0x3c: {  	s0 =	rddreg [dreg:$0x7]  }
0x3d: {  	[hbm4b:s3+s2] =	stream.indirect_vreg.scatter [tilespmem:s0], [sflag:$0x1], $0x80, v3, vm0, $0xb8;
	[tilespmem:$0x18080] =	vst v63  }
0x3e: {  	s9 =	rddreg [dreg:$0x8]  }
0x3f: {  	[hbm4b:s4+s2] =	stream.indirect_vreg.scatter [tilespmem:s9], [sflag:$0x1], $0x80, v3, vm0, $0xb8;
	[tilespmem:$0x18080] =	vst v63  }
0x40: {  	s0 =	rddreg [dreg:$0x9]  }
0x41: {  	[hbm4b:s5+s2] =	stream.indirect_vreg.scatter [tilespmem:s0], [sflag:$0x1], $0x80, v3, vm0, $0xb8;
	[tilespmem:$0x18080] =	vst v63  }
0x42: {  	v3 =	vld [tilespmem:$0x10];
	_ =	sdelay $0x4  }
0x43: {  	v57 =	vshrl.u32 v3, $0x3  }
0x44: {  	v4 =	vmul.u32 $0x30, v57  }
0x45: {  	v3 =	vand.u32 $0x7, v3  }
0x46: {  	v3 =	vor.u32 v3, v4  }
0x47: {  	v4 =	vperm.xlane v3, v0;
	_ =	sdelay $0x1  }
0x48: {  	v4 =	vadd.s32 v1, v4;
	_ =	sdelay $0x3  }
0x49: {  	s0 =	rddreg [dreg:$0xa];
	v3 =	vperm.xlane v3, v2  }
0x4a: {  	[hbm4b:s3+s2] =	stream.indirect_vreg.scatter [tilespmem:s0], [sflag:$0x1], $0x80, v4, vm0, $0xb8;
	[tilespmem:$0x18080] =	vst v63  }
0x4b: {  	s9 =	rddreg [dreg:$0xb];
	v3 =	vadd.s32 v1, v3  }
0x4c: {  	[hbm4b:s4+s2] =	stream.indirect_vreg.scatter [tilespmem:s9], [sflag:$0x1], $0x80, v4, vm0, $0xb8;
	[tilespmem:$0x18080] =	vst v63  }
0x4d: {  	s0 =	rddreg [dreg:$0xc]  }
0x4e: {  	[hbm4b:s5+s2] =	stream.indirect_vreg.scatter [tilespmem:s0], [sflag:$0x1], $0x80, v4, vm0, $0xb8;
	[tilespmem:$0x18080] =	vst v63  }
0x4f: {  	s9 =	rddreg [dreg:$0xd]  }
0x50: {  	[hbm4b:s3+s2] =	stream.indirect_vreg.scatter [tilespmem:s9], [sflag:$0x1], $0x80, v3, vm0, $0xb8;
	[tilespmem:$0x18080] =	vst v63  }
0x51: {  	s0 =	rddreg [dreg:$0xe]  }
0x52: {  	[hbm4b:s4+s2] =	stream.indirect_vreg.scatter [tilespmem:s0], [sflag:$0x1], $0x80, v3, vm0, $0xb8;
	[tilespmem:$0x18080] =	vst v63  }
0x53: {  	s9 =	rddreg [dreg:$0xf]  }
0x54: {  	[hbm4b:s5+s2] =	stream.indirect_vreg.scatter [tilespmem:s9], [sflag:$0x1], $0x80, v3, vm0, $0xb8;
	[tilespmem:$0x18080] =	vst v63  }
0x55: {  	v3 =	vld [tilespmem:$0x20];
	_ =	sdelay $0x4  }
0x56: {  	v58 =	vshrl.u32 v3, $0x3  }
0x57: {  	v4 =	vmul.u32 $0x30, v58  }
0x58: {  	v3 =	vand.u32 $0x7, v3  }
0x59: {  	v3 =	vor.u32 v3, v4  }
0x5a: {  	v4 =	vperm.xlane v3, v0;
	_ =	sdelay $0x1  }
0x5b: {  	v4 =	vadd.s32 v1, v4;
	_ =	sdelay $0x3  }
0x5c: {  	s0 =	rddreg [dreg:$0x10];
	v3 =	vperm.xlane v3, v2  }
0x5d: {  	[hbm4b:s3+s2] =	stream.indirect_vreg.scatter [tilespmem:s0], [sflag:$0x1], $0x80, v4, vm0, $0xb8;
	[tilespmem:$0x18080] =	vst v63  }
0x5e: {  	s9 =	rddreg [dreg:$0x11];
	v3 =	vadd.s32 v1, v3  }
0x5f: {  	[hbm4b:s4+s2] =	stream.indirect_vreg.scatter [tilespmem:s9], [sflag:$0x1], $0x80, v4, vm0, $0xb8;
	[tilespmem:$0x18080] =	vst v63  }
0x60: {  	s0 =	rddreg [dreg:$0x12]  }
0x61: {  	[hbm4b:s5+s2] =	stream.indirect_vreg.scatter [tilespmem:s0], [sflag:$0x1], $0x80, v4, vm0, $0xb8;
	[tilespmem:$0x18080] =	vst v63  }
0x62: {  	s9 =	rddreg [dreg:$0x13]  }
0x63: {  	[hbm4b:s3+s2] =	stream.indirect_vreg.scatter [tilespmem:s9], [sflag:$0x1], $0x80, v3, vm0, $0xb8;
	[tilespmem:$0x18080] =	vst v63  }
0x64: {  	s0 =	rddreg [dreg:$0x14]  }
0x65: {  	[hbm4b:s4+s2] =	stream.indirect_vreg.scatter [tilespmem:s0], [sflag:$0x1], $0x80, v3, vm0, $0xb8;
	[tilespmem:$0x18080] =	vst v63  }
0x66: {  	s9 =	rddreg [dreg:$0x15]  }
0x67: {  	[hbm4b:s5+s2] =	stream.indirect_vreg.scatter [tilespmem:s9], [sflag:$0x1], $0x80, v3, vm0, $0xb8;
	[tilespmem:$0x18080] =	vst v63  }
0x68: {  	v3 =	vld [tilespmem:$0x30];
	_ =	sdelay $0x4  }
0x69: {  	v59 =	vshrl.u32 v3, $0x3  }
0x6a: {  	v4 =	vmul.u32 $0x30, v59  }
0x6b: {  	v3 =	vand.u32 $0x7, v3  }
0x6c: {  	v3 =	vor.u32 v3, v4  }
0x6d: {  	v4 =	vperm.xlane v3, v0;
	_ =	sdelay $0x1  }
0x6e: {  	v4 =	vadd.s32 v1, v4;
	_ =	sdelay $0x3  }
0x6f: {  	s0 =	rddreg [dreg:$0x16];
	v3 =	vperm.xlane v3, v2  }
0x70: {  	[hbm4b:s3+s2] =	stream.indirect_vreg.scatter [tilespmem:s0], [sflag:$0x1], $0x80, v4, vm0, $0xb8;
	[tilespmem:$0x18080] =	vst v63  }
0x71: {  	s9 =	rddreg [dreg:$0x17];
	v3 =	vadd.s32 v1, v3  }
0x72: {  	[hbm4b:s4+s2] =	stream.indirect_vreg.scatter [tilespmem:s9], [sflag:$0x1], $0x80, v4, vm0, $0xb8;
	[tilespmem:$0x18080] =	vst v63  }
0x73: {  	s0 =	rddreg [dreg:$0x18]  }
0x74: {  	[hbm4b:s5+s2] =	stream.indirect_vreg.scatter [tilespmem:s0], [sflag:$0x1], $0x80, v4, vm0, $0xb8;
	[tilespmem:$0x18080] =	vst v63  }
0x75: {  	s9 =	rddreg [dreg:$0x19]  }
0x76: {  	[hbm4b:s3+s2] =	stream.indirect_vreg.scatter [tilespmem:s9], [sflag:$0x1], $0x80, v3, vm0, $0xb8;
	[tilespmem:$0x18080] =	vst v63  }
0x77: {  	s0 =	rddreg [dreg:$0x1a]  }
0x78: {  	[hbm4b:s4+s2] =	stream.indirect_vreg.scatter [tilespmem:s0], [sflag:$0x1], $0x80, v3, vm0, $0xb8;
	[tilespmem:$0x18080] =	vst v63  }
0x79: {  	s9 =	rddreg [dreg:$0x1b]  }
0x7a: {  	[hbm4b:s5+s2] =	stream.indirect_vreg.scatter [tilespmem:s9], [sflag:$0x1], $0x80, v3, vm0, $0xb8;
	[tilespmem:$0x18080] =	vst v63  }
0x7b: {  	v3 =	vld [tilespmem:$0x40];
	_ =	sdelay $0x4  }
0x7c: {  	v60 =	vshrl.u32 v3, $0x3  }
0x7d: {  	v4 =	vmul.u32 $0x30, v60  }
0x7e: {  	v3 =	vand.u32 $0x7, v3  }
0x7f: {  	v3 =	vor.u32 v3, v4  }
0x80: {  	v4 =	vperm.xlane v3, v0;
	_ =	sdelay $0x1  }
0x81: {  	v4 =	vadd.s32 v1, v4;
	_ =	sdelay $0x3  }
0x82: {  	s0 =	rddreg [dreg:$0x1c];
	v3 =	vperm.xlane v3, v2  }
0x83: {  	[hbm4b:s3+s2] =	stream.indirect_vreg.scatter [tilespmem:s0], [sflag:$0x1], $0x80, v4, vm0, $0xb8;
	[tilespmem:$0x18080] =	vst v63  }
0x84: {  	s9 =	rddreg [dreg:$0x1d];
	v3 =	vadd.s32 v1, v3  }
0x85: {  	[hbm4b:s4+s2] =	stream.indirect_vreg.scatter [tilespmem:s9], [sflag:$0x1], $0x80, v4, vm0, $0xb8;
	[tilespmem:$0x18080] =	vst v63  }
0x86: {  	s9 =	simm.s32 $0xD080  }
0x87: {  	[hbm4b:s5+s2] =	stream.indirect_vreg.scatter [tilespmem:s9], [sflag:$0x1], $0x80, v4, vm0, $0xb8;
	[tilespmem:$0x18080] =	vst v63  }
0x88: {  	_ = 	snop  }
0x89: {  	[hbm4b:s3+s2] =	stream.indirect_vreg.scatter [tilespmem:s10], [sflag:$0x1], $0x80, v3, vm0, $0xb8;
	[tilespmem:$0x18080] =	vst v63  }
0x8a: {  	_ = 	snop  }
0x8b: {  	[hbm4b:s4+s2] =	stream.indirect_vreg.scatter [tilespmem:s11], [sflag:$0x1], $0x80, v3, vm0, $0xb8;
	[tilespmem:$0x18080] =	vst v63  }
0x8c: {  	_ = 	snop  }
0x8d: {  	[hbm4b:s5+s2] =	stream.indirect_vreg.scatter [tilespmem:s12], [sflag:$0x1], $0x80, v3, vm0, $0xb8;
	[tilespmem:$0x18080] =	vst v63  }
0x8e: {  	v3 =	vld [tilespmem:$0x50];
	_ =	sdelay $0x4  }
0x8f: {  	v61 =	vshrl.u32 v3, $0x3  }
0x90: {  	v4 =	vmul.u32 $0x30, v61  }
0x91: {  	v3 =	vand.u32 $0x7, v3  }
0x92: {  	v3 =	vor.u32 v3, v4  }
0x93: {  	v4 =	vperm.xlane v3, v0;
	_ =	sdelay $0x1  }
0x94: {  	v4 =	vadd.s32 v1, v4;
	_ =	sdelay $0x3  }
0x95: {  	v3 =	vperm.xlane v3, v2  }
0x96: {  	[hbm4b:s3+s2] =	stream.indirect_vreg.scatter [tilespmem:s13], [sflag:$0x1], $0x80, v4, vm0, $0xb8;
	[tilespmem:$0x18080] =	vst v63  }
0x97: {  	v3 =	vadd.s32 v1, v3  }
0x98: {  	[hbm4b:s4+s2] =	stream.indirect_vreg.scatter [tilespmem:s14], [sflag:$0x1], $0x80, v4, vm0, $0xb8;
	[tilespmem:$0x18080] =	vst v63  }
0x99: {  	_ = 	snop  }
0x9a: {  	[hbm4b:s5+s2] =	stream.indirect_vreg.scatter [tilespmem:s15], [sflag:$0x1], $0x80, v4, vm0, $0xb8;
	[tilespmem:$0x18080] =	vst v63  }
0x9b: {  	_ = 	snop  }
0x9c: {  	[hbm4b:s3+s2] =	stream.indirect_vreg.scatter [tilespmem:s16], [sflag:$0x1], $0x80, v3, vm0, $0xb8;
	[tilespmem:$0x18080] =	vst v63  }
0x9d: {  	_ = 	snop  }
0x9e: {  	[hbm4b:s4+s2] =	stream.indirect_vreg.scatter [tilespmem:s17], [sflag:$0x1], $0x80, v3, vm0, $0xb8;
	[tilespmem:$0x18080] =	vst v63  }
0x9f: {  	_ = 	snop  }
0xa0: {  	[hbm4b:s5+s2] =	stream.indirect_vreg.scatter [tilespmem:s18], [sflag:$0x1], $0x80, v3, vm0, $0xb8;
	[tilespmem:$0x18080] =	vst v63  }
0xa1: {  	v3 =	vld [tilespmem:$0x60];
	_ =	sdelay $0x4  }
0xa2: {  	v62 =	vshrl.u32 v3, $0x3  }
0xa3: {  	v4 =	vmul.u32 $0x30, v62  }
0xa4: {  	v3 =	vand.u32 $0x7, v3  }
0xa5: {  	v3 =	vor.u32 v3, v4  }
0xa6: {  	v4 =	vperm.xlane v3, v0;
	_ =	sdelay $0x1  }
0xa7: {  	v4 =	vadd.s32 v1, v4;
	_ =	sdelay $0x3  }
0xa8: {  	v3 =	vperm.xlane v3, v2  }
0xa9: {  	[hbm4b:s3+s2] =	stream.indirect_vreg.scatter [tilespmem:s19], [sflag:$0x1], $0x80, v4, vm0, $0xb8;
	[tilespmem:$0x18080] =	vst v63  }
0xaa: {  	v3 =	vadd.s32 v1, v3  }
0xab: {  	[hbm4b:s4+s2] =	stream.indirect_vreg.scatter [tilespmem:s20], [sflag:$0x1], $0x80, v4, vm0, $0xb8;
	[tilespmem:$0x18080] =	vst v63  }
0xac: {  	_ = 	snop  }
0xad: {  	[hbm4b:s5+s2] =	stream.indirect_vreg.scatter [tilespmem:s21], [sflag:$0x1], $0x80, v4, vm0, $0xb8;
	[tilespmem:$0x18080] =	vst v63  }
0xae: {  	_ = 	snop  }
0xaf: {  	[hbm4b:s3+s2] =	stream.indirect_vreg.scatter [tilespmem:s22], [sflag:$0x1], $0x80, v3, vm0, $0xb8;
	[tilespmem:$0x18080] =	vst v63  }
0xb0: {  	_ = 	snop  }
0xb1: {  	[hbm4b:s4+s2] =	stream.indirect_vreg.scatter [tilespmem:s23], [sflag:$0x1], $0x80, v3, vm0, $0xb8;
	[tilespmem:$0x18080] =	vst v63  }
0xb2: {  	_ = 	snop  }
0xb3: {  	[hbm4b:s5+s2] =	stream.indirect_vreg.scatter [tilespmem:s24], [sflag:$0x1], $0x80, v3, vm0, $0xb8;
	[tilespmem:$0x18080] =	vst v63  }
0xb4: {  	v3 =	vld [tilespmem:$0x70];
	_ =	sdelay $0x4  }
0xb5: {  	v63 =	vshrl.u32 v3, $0x3  }
0xb6: {  	v4 =	vmul.u32 $0x30, v63  }
0xb7: {  	v3 =	vand.u32 $0x7, v3  }
0xb8: {  	v3 =	vor.u32 v3, v4  }
0xb9: {  	v4 =	vperm.xlane v3, v0;
	_ =	sdelay $0x1  }
0xba: {  	v4 =	vadd.s32 v1, v4;
	_ =	sdelay $0x3  }
0xbb: {  	v3 =	vperm.xlane v3, v2  }
0xbc: {  	[hbm4b:s3+s2] =	stream.indirect_vreg.scatter [tilespmem:s25], [sflag:$0x1], $0x80, v4, vm0, $0xb8;
	[tilespmem:$0x18080] =	vst v63  }
0xbd: {  	v3 =	vadd.s32 v1, v3  }
0xbe: {  	[hbm4b:s4+s2] =	stream.indirect_vreg.scatter [tilespmem:s26], [sflag:$0x1], $0x80, v4, vm0, $0xb8;
	[tilespmem:$0x18080] =	vst v63  }
0xbf: {  	_ = 	snop  }
0xc0: {  	[hbm4b:s5+s2] =	stream.indirect_vreg.scatter [tilespmem:s28], [sflag:$0x1], $0x80, v4, vm0, $0xb8;
	[tilespmem:$0x18080] =	vst v63  }
0xc1: {  	_ = 	snop  }
0xc2: {  	[hbm4b:s3+s2] =	stream.indirect_vreg.scatter [tilespmem:s29], [sflag:$0x1], $0x80, v3, vm0, $0xb8;
	[tilespmem:$0x18080] =	vst v63  }
0xc3: {  	p0 =	sne.s32 s6, $0x1  }
0xc4: {  	[hbm4b:s4+s2] =	stream.indirect_vreg.scatter [tilespmem:s30], [sflag:$0x1], $0x80, v3, vm0, $0xb8;
	[tilespmem:$0x18080] =	vst v63  }
.Ltmp0:
0xc5: {  	_ = 	snop;
	(pc) =	sbr.rel @p0 .LBB2_1-.Ltmp0, $4  }
0xc6: {  	[hbm4b:s5+s2] =	stream.indirect_vreg.scatter [tilespmem:s31], [sflag:$0x1], $0x80, v3, vm0, $0xb8;
	[tilespmem:$0x18080] =	vst v63  }
0xc7: {  	_ =	swait.ge [sflag:s1], $0x18000  }
0xc8: {  	[sflag:s1] =	ssyncset.done $0x0  }
0xc9: {  	s6 =	sadd.s32 $0xFFFFFFFF, s6;
	[sflag:s1] =	ssyncadd.s32 $0xFFFE8000  }
0xca: {  	_ =	sfence.sel $0x180000  }
0xcb: {  	[bflag:$0x0] =	sbarrier.arrive $0xFFFF  }
0xcc: {  	_ =	strace $0x90000047  }
0xcd: {  	s0 =	stileid.u32;
	[bflag:$0x2] =	sbarrier.arrive $0xFFFF  }
0xce: {  	p0 =	sne.s32 s0, $0x0;
	s0 =	rddreg [dreg:$0x2]  }
0xcf: {  	s0 =	sadd.s32 @!p0 $0x100000, s0  }
0xd0: {  	[sflag:s0] =	ssyncadd.tile.s32 @!p0 $0x1;
	_ =	shalt  }
.Lfunc_end2:
_tile_overlayer_lowered:
.L_overlay_start_2:
0xd1: {  	(tag) =	ssettag $0x2  }
0xd2: {  	s0 =	rddreg [dreg:$0x0];
	s2 =	stileid.u32  }
0xd3: {  	s1 =	rddreg [dreg:$0x1];
	p0 =	sne.s32 s2, $0x0  }
0xd4: {  	s3 =	rddreg [dreg:$0x2];
	[bflag:$0x3] =	sbarrier.arrive $0xFFFF;
	s2 =	simm.s32 @!p0 $0x1C02  }
0xd5: {  	[timem:s3], [sflag:s2] =	dma.local @!p0 [hbm:s0], s1  }
0xd6: {  	s0 =	simm.s32 @!p0 $0x2  }
0xd7: {  	_ =	swait.ge @!p0 [sflag:s0], s1  }
0xd8: {  	s1 =	ssub.s32 @!p0 $0x0, s1;
	[sflag:s0] =	ssyncset.done @!p0 $0x0  }
0xd9: {  	[sflag:s0] =	ssyncadd.s32 @!p0 s1  }
0xda: {  	[bflag:$0x3] =	sbarrier.arrive $0xFFFF  }
0xdb: {  	_ =	shalt  }

</sc_bundles>
